<compile_context>
chip_gen: v7x
topology: tpu7x:2x2x1
jax: 0.10.2.dev20260603
libtpu: 0.0.44.dev20260713+nightly
codegen_flags: <defaults>
</compile_context>

<pallas_src>
import functools

import jax
import jax.numpy as jnp
from jax import lax
from jax.experimental import pallas as pl
from jax.experimental.pallas import tpu as pltpu
from jax.experimental.pallas import tpu_sc as plsc

_B = 16
_MAX_LEN = 4096
_TOTAL = 32768
_HALF = _MAX_LEN // 2
_BUF = _HALF + 16
_LANES = 16


def _pad_sc_body(flat_hbm, cu_hbm, out_hbm, cu_v, buf_v, out_v, sem):
    h = lax.axis_index("c")
    b = lax.axis_index("s")

    pltpu.sync_copy(cu_hbm.at[pl.ds(0, _LANES)], cu_v)
    lane = lax.iota(jnp.int32, _LANES)
    b_v = jnp.full((_LANES,), b, dtype=jnp.int32)
    cu_pair = plsc.load_gather(
        cu_v, [jnp.minimum(b_v + jnp.minimum(lane, 1), _LANES - 1)]
    )
    row_start = cu_pair[0]
    row_end = jnp.where(b == _B - 1, _TOTAL, cu_pair[1])

    start = row_start + h * _HALF
    n_valid = jnp.clip(row_end - start, 0, _HALF)

    aligned = (start // 8) * 8
    read_start = jnp.minimum(aligned, _TOTAL - _BUF)
    read_start = pl.multiple_of(read_start, 8)
    off = start - read_start

    pltpu.sync_copy(flat_hbm.at[pl.ds(read_start, _BUF)], buf_v)

    off_v = jnp.full((_LANES,), off, dtype=jnp.int32)
    nv_v = jnp.full((_LANES,), n_valid, dtype=jnp.int32)

    def body(j, _):
        pos = j * _LANES + lane
        mask = pos < nv_v
        idx = jnp.minimum(pos + off_v, _BUF - 1)
        vals = plsc.load_gather(buf_v, [idx])
        vals = jnp.where(mask, vals, 0.0)
        out_v[pl.ds(j * _LANES, _LANES)] = vals
        return 0

    dst = b * _MAX_LEN + h * _HALF
    dst = pl.multiple_of(dst, _HALF)

    q_len = _HALF // 4
    q_iters = q_len // _LANES
    copies = []
    for q in range(4):
        lax.fori_loop(q * q_iters, (q + 1) * q_iters, body, 0, unroll=8)
        copies.append(
            pltpu.async_copy(
                out_v.at[pl.ds(q * q_len, q_len)],
                out_hbm.at[pl.ds(dst + q * q_len, q_len)],
                sem,
            )
        )
    for cp in copies:
        cp.wait()


@functools.cache
def _build_kernel():
    mesh = plsc.VectorSubcoreMesh(core_axis_name="c", subcore_axis_name="s")
    return pl.kernel(
        _pad_sc_body,
        out_type=jax.ShapeDtypeStruct((_B * _MAX_LEN,), jnp.float32),
        mesh=mesh,
        scratch_types=[
            pltpu.VMEM((_LANES,), jnp.int32),
            pltpu.VMEM((_BUF,), jnp.float32),
            pltpu.VMEM((_HALF,), jnp.float32),
            pltpu.SemaphoreType.DMA,
        ],
        compiler_params=pltpu.CompilerParams(
            needs_layout_passes=False,
            disable_bounds_checks=True,
            disable_semaphore_checks=True,
            skip_device_barrier=True,
        ),
    )


def kernel(flat, cu_seqlens):
    out = _build_kernel()(flat, cu_seqlens.astype(jnp.int32))
    return out.reshape(_B, _MAX_LEN)

# --- scband reference (transcript-rebuilt; emitter-appended) ---
"""Pipeline reference for scband-padding-1125281432077 (READ-ONLY COPY).

The authoritative reference and input builder live on the scoring server;
editing this copy changes nothing except your own understanding.
"""

import jax, jax.numpy as jnp
import numpy as np

B = 16
MAX_LEN = 4096
TOTAL = 32768
PAD_VALUE = 0.0

def setup_inputs(seed: int = 0) -> dict:
    key = jax.random.key(seed)
    k1, k2 = jax.random.split(key)
    flat = jax.random.normal(k1, (TOTAL,), dtype=jnp.float32)
    # cu_seqlens: monotone row offsets [0, ..., TOTAL] of length B+1,
    # the ragged-tensor row_splits equivalent of a tf.RaggedTensor input.
    inner = jnp.sort(jax.random.randint(k2, (B - 1,), 0, TOTAL).astype(jnp.int32))
    cu_seqlens = jnp.concatenate([
        jnp.zeros((1,), dtype=jnp.int32),
        inner,
        jnp.full((1,), TOTAL, dtype=jnp.int32),
    ])
    return {"flat": flat, "cu_seqlens": cu_seqlens}

def reference(flat, cu_seqlens):
    # Faithful jax translation of Padding.call on a RaggedTensor:
    #   padded = inputs.to_tensor(default_value=pad_value, shape=[None, max_len])
    # i.e. scatter each ragged row's values into a dense [B, MAX_LEN] buffer
    # prefilled with pad_value, truncating rows longer than MAX_LEN.
    total = flat.shape[0]
    tok = jnp.arange(total, dtype=jnp.int32)
    # which row each flat token belongs to
    row_ids = jnp.searchsorted(cu_seqlens, tok, side="right").astype(jnp.int32) - 1
    # position within the row
    positions = tok - cu_seqlens[row_ids]
    dense = jnp.full((B, MAX_LEN), PAD_VALUE, dtype=flat.dtype)
    # mode='drop' truncates tokens whose position >= MAX_LEN, matching
    # to_tensor(shape=[None, max_len]) truncation semantics.
    dense = dense.at[row_ids, positions].set(flat, mode="drop")
    return dense

if __name__ == "__main__":
    import jax
    _d = setup_inputs()
    print(jax.jit(kernel)(*tuple(_d.values())))

</pallas_src>

<mosaic_0001>
#map = affine_map<(d0, d1) -> (0)>
module attributes {stable_mosaic.version = 14 : i64} {
  func.func @_pad_sc_body(%arg0: i32, %arg1: i32, %arg2: memref<32768xf32, #tpu.memory_space<hbm>>, %arg3: memref<17xi32, #tpu.memory_space<hbm>>, %arg4: memref<65536xf32, #tpu.memory_space<hbm>>, %arg5: memref<16xi32, #tpu.memory_space<vmem>>, %arg6: memref<2064xf32, #tpu.memory_space<vmem>>, %arg7: memref<2048xf32, #tpu.memory_space<vmem>>, %arg8: memref<!tpu.dma_semaphore, #tpu.memory_space<semaphore_mem>>) attributes {dimension_semantics = [#tpu.dimension_semantics<core_parallel>, #tpu.dimension_semantics<subcore_parallel>], iteration_bounds = array<i64: 2, 16>, scalar_prefetch = 0 : i64, scratch_operands = 4 : i64, tpu.core_type = #tpu.core_type<sc_vector_subcore>, window_params = [{transform_indices = #map}, {transform_indices = #map}, {transform_indices = #map}]} {
    "tpu.region"() ({
      %run_scoped3A = tpu.sem_alloc : memref<!tpu.dma_semaphore, #tpu.memory_space<semaphore_mem>>
      %dma_start3A_126 = arith.constant 0 : i32
      %dma_start3A_127 = tpu.memref_slice %arg3[%dma_start3A_126] : memref<17xi32, #tpu.memory_space<hbm>> -> memref<16xi32, #tpu.memory_space<hbm>>
      %dma_start3A_128 = arith.constant 0 : i32
      %dma_start3A_129 = tpu.memref_slice %arg3[%dma_start3A_128] : memref<17xi32, #tpu.memory_space<hbm>> -> memref<16xi32, #tpu.memory_space<hbm>>
      tpu.enqueue_dma source(%dma_start3A_129 : memref<16xi32, #tpu.memory_space<hbm>>) target(%arg5 : memref<16xi32, #tpu.memory_space<vmem>>) target_semaphore(%run_scoped3A : memref<!tpu.dma_semaphore, #tpu.memory_space<semaphore_mem>>)
      %dma_wait3A_130 = arith.constant 0 : i32
      %dma_wait3A_131 = tpu.memref_slice %arg3[%dma_wait3A_130] : memref<17xi32, #tpu.memory_space<hbm>> -> memref<16xi32, #tpu.memory_space<hbm>>
      %dma_wait3A_132 = arith.constant 0 : i32
      %dma_wait3A_133 = tpu.memref_slice %arg3[%dma_wait3A_132] : memref<17xi32, #tpu.memory_space<hbm>> -> memref<16xi32, #tpu.memory_space<hbm>>
      tpu.wait_dma2 semaphore(%run_scoped3A : memref<!tpu.dma_semaphore, #tpu.memory_space<semaphore_mem>>) src(%dma_wait3A_133 : memref<16xi32, #tpu.memory_space<hbm>>) dst(%arg5 : memref<16xi32, #tpu.memory_space<vmem>>)
      tpu.yield
    }) : () -> ()
    %iota3A = tpu.iota {dimensions = array<i32: 0>} : vector<16xi32>
    %broadcast_in_dim3A = vector.broadcast %arg1 : i32 to vector<16xi32>
    %min3A = arith.constant 1 : i32
    %min3A_0 = vector.broadcast %min3A : i32 to vector<16xi32>
    %min3A_1 = arith.minsi %iota3A, %min3A_0 : vector<16xi32>
    %add3A = arith.addi %broadcast_in_dim3A, %min3A_1 : vector<16xi32>
    %min3A_2 = arith.constant 15 : i32
    %min3A_3 = vector.broadcast %min3A_2 : i32 to vector<16xi32>
    %min3A_4 = arith.minsi %add3A, %min3A_3 : vector<16xi32>
    %gather3A = tpu.vector_load_idx %arg5[%min3A_4] : memref<16xi32, #tpu.memory_space<vmem>>[vector<16xi32>], vector<16xi32>,
    %slice3A = vector.extract_strided_slice %gather3A {offsets = [0], sizes = [1], strides = [1]} : vector<16xi32> to vector<1xi32>
    %squeeze3A = vector.extract %slice3A[0] : i32 from vector<1xi32>
    %eq3A = arith.constant 15 : i32
    %eq3A_5 = arith.cmpi eq, %arg1, %eq3A : i32
    %slice3A_6 = vector.extract_strided_slice %gather3A {offsets = [1], sizes = [1], strides = [1]} : vector<16xi32> to vector<1xi32>
    %squeeze3A_7 = vector.extract %slice3A_6[0] : i32 from vector<1xi32>
    %jit3A = arith.constant 32768 : i32
    %select_n3A = arith.select %eq3A_5, %jit3A, %squeeze3A_7 : i32
    %mul3A = arith.constant 2048 : i32
    %mul3A_8 = arith.muli %arg0, %mul3A : i32
    %add3A_9 = arith.addi %squeeze3A, %mul3A_8 : i32
    %sub3A = arith.subi %select_n3A, %add3A_9 : i32
    %jit3A_10 = arith.constant 0 : i32
    %jit3A_11 = arith.constant 2048 : i32
    %max3A = arith.maxsi %jit3A_10, %sub3A : i32
    %min3A_12 = arith.minsi %jit3A_11, %max3A : i32
    %jit3A_13 = arith.constant 8 : i32
    %div3A = arith.divsi %add3A_9, %jit3A_13 : i32
    %sign3A = arith.constant 0 : i32
    %sign3A_14 = arith.cmpi sgt, %add3A_9, %sign3A : i32
    %sign3A_15 = arith.extui %sign3A_14 : i1 to i32
    %sign3A_16 = arith.constant 0 : i32
    %sign3A_17 = arith.cmpi slt, %add3A_9, %sign3A_16 : i32
    %sign3A_18 = arith.extui %sign3A_17 : i1 to i32
    %sign3A_19 = arith.subi %sign3A_15, %sign3A_18 : i32
    %sign3A_20 = arith.constant 0 : i32
    %sign3A_21 = arith.cmpi sgt, %jit3A_13, %sign3A_20 : i32
    %sign3A_22 = arith.extui %sign3A_21 : i1 to i32
    %sign3A_23 = arith.constant 0 : i32
    %sign3A_24 = arith.cmpi slt, %jit3A_13, %sign3A_23 : i32
    %sign3A_25 = arith.extui %sign3A_24 : i1 to i32
    %sign3A_26 = arith.subi %sign3A_22, %sign3A_25 : i32
    %ne3A = arith.cmpi ne, %sign3A_19, %sign3A_26 : i32
    %rem3A = arith.remsi %add3A_9, %jit3A_13 : i32
    %ne3A_27 = arith.constant 0 : i32
    %ne3A_28 = arith.cmpi ne, %rem3A, %ne3A_27 : i32
    %and3A = arith.andi %ne3A, %ne3A_28 : i1
    %sub3A_29 = arith.constant 1 : i32
    %sub3A_30 = arith.subi %div3A, %sub3A_29 : i32
    %select_n3A_31 = arith.select %and3A, %sub3A_30, %div3A : i32
    %mul3A_32 = arith.constant 8 : i32
    %mul3A_33 = arith.muli %select_n3A_31, %mul3A_32 : i32
    %min3A_34 = arith.constant 30704 : i32
    %min3A_35 = arith.minsi %mul3A_33, %min3A_34 : i32
    %multiple_of3A = tpu.assume_multiple %min3A_35, 8 : i32
    %sub3A_36 = arith.subi %add3A_9, %multiple_of3A : i32
    "tpu.region"() ({
      %run_scoped3A = tpu.sem_alloc : memref<!tpu.dma_semaphore, #tpu.memory_space<semaphore_mem>>
      %dma_start3A_126 = tpu.memref_slice %arg2[%multiple_of3A] : memref<32768xf32, #tpu.memory_space<hbm>> -> memref<2064xf32, #tpu.memory_space<hbm>>
      %dma_start3A_127 = tpu.memref_slice %arg2[%multiple_of3A] : memref<32768xf32, #tpu.memory_space<hbm>> -> memref<2064xf32, #tpu.memory_space<hbm>>
      tpu.enqueue_dma source(%dma_start3A_127 : memref<2064xf32, #tpu.memory_space<hbm>>) target(%arg6 : memref<2064xf32, #tpu.memory_space<vmem>>) target_semaphore(%run_scoped3A : memref<!tpu.dma_semaphore, #tpu.memory_space<semaphore_mem>>)
      %dma_wait3A_128 = tpu.memref_slice %arg2[%multiple_of3A] : memref<32768xf32, #tpu.memory_space<hbm>> -> memref<2064xf32, #tpu.memory_space<hbm>>
      %dma_wait3A_129 = tpu.memref_slice %arg2[%multiple_of3A] : memref<32768xf32, #tpu.memory_space<hbm>> -> memref<2064xf32, #tpu.memory_space<hbm>>
      tpu.wait_dma2 semaphore(%run_scoped3A : memref<!tpu.dma_semaphore, #tpu.memory_space<semaphore_mem>>) src(%dma_wait3A_129 : memref<2064xf32, #tpu.memory_space<hbm>>) dst(%arg6 : memref<2064xf32, #tpu.memory_space<vmem>>)
      tpu.yield
    }) : () -> ()
    %broadcast_in_dim3A_37 = vector.broadcast %sub3A_36 : i32 to vector<16xi32>
    %broadcast_in_dim3A_38 = vector.broadcast %min3A_12 : i32 to vector<16xi32>
    %mul3A_39 = arith.constant 4096 : i32
    %mul3A_40 = arith.muli %arg1, %mul3A_39 : i32
    %mul3A_41 = arith.constant 2048 : i32
    %mul3A_42 = arith.muli %arg0, %mul3A_41 : i32
    %add3A_43 = arith.addi %mul3A_40, %mul3A_42 : i32
    %multiple_of3A_44 = tpu.assume_multiple %add3A_43, 2048 : i32
    %scan3A = arith.constant 0 : i32
    %scan3A_45 = arith.constant 0 : i32
    %scan3A_46 = arith.constant 32 : i32
    %scan3A_47 = arith.addi %scan3A_45, %scan3A_46 : i32
    %scan3A_48 = arith.constant 8 : i32
    %scan3A_49 = scf.for %scan3A_126 = %scan3A_45 to %scan3A_47 step %scan3A_48 iter_args(%scan3A_127 = %scan3A) -> (i32)  : i32 {
      %mul3A_128 = arith.constant 16 : i32
      %mul3A_129 = arith.muli %scan3A_126, %mul3A_128 : i32
      %add3A_130 = vector.broadcast %mul3A_129 : i32 to vector<16xi32>
      %add3A_131 = arith.addi %add3A_130, %iota3A : vector<16xi32>
      %lt3A = arith.cmpi slt, %add3A_131, %broadcast_in_dim3A_38 : vector<16xi32>
      %add3A_132 = arith.addi %add3A_131, %broadcast_in_dim3A_37 : vector<16xi32>
      %min3A_133 = arith.constant 2063 : i32
      %min3A_134 = vector.broadcast %min3A_133 : i32 to vector<16xi32>
      %min3A_135 = arith.minsi %add3A_132, %min3A_134 : vector<16xi32>
      %gather3A_136 = tpu.vector_load_idx %arg6[%min3A_135] : memref<2064xf32, #tpu.memory_space<vmem>>[vector<16xi32>], vector<16xf32>,
      %jit3A_137 = arith.constant 0.000000e+00 : f32
      %broadcast_in_dim3A_138 = vector.broadcast %jit3A_137 : f32 to vector<16xf32>
      %select_n3A_139 = arith.select %lt3A, %gather3A_136, %broadcast_in_dim3A_138 : vector<16xi1>, vector<16xf32>
      %mul3A_140 = arith.constant 16 : i32
      %mul3A_141 = arith.muli %scan3A_126, %mul3A_140 : i32
      %swap3A = arith.index_cast %mul3A_141 : i32 to index
      %swap3A_142 = tpu.vector_load %arg7[%swap3A] {strides = array<i32>} : memref<2048xf32, #tpu.memory_space<vmem>>, vector<16xf32>,
      tpu.vector_store %arg7[%swap3A], %select_n3A_139 {strides = array<i32>} : memref<2048xf32, #tpu.memory_space<vmem>>, vector<16xf32>,
      %scan3A_143 = arith.constant 0 : i32
      %scan3A_144 = arith.constant 1 : i32
      %scan3A_145 = arith.addi %scan3A_126, %scan3A_144 : i32
      %mul3A_146 = arith.constant 16 : i32
      %mul3A_147 = arith.muli %scan3A_145, %mul3A_146 : i32
      %add3A_148 = vector.broadcast %mul3A_147 : i32 to vector<16xi32>
      %add3A_149 = arith.addi %add3A_148, %iota3A : vector<16xi32>
      %lt3A_150 = arith.cmpi slt, %add3A_149, %broadcast_in_dim3A_38 : vector<16xi32>
      %add3A_151 = arith.addi %add3A_149, %broadcast_in_dim3A_37 : vector<16xi32>
      %min3A_152 = arith.constant 2063 : i32
      %min3A_153 = vector.broadcast %min3A_152 : i32 to vector<16xi32>
      %min3A_154 = arith.minsi %add3A_151, %min3A_153 : vector<16xi32>
      %gather3A_155 = tpu.vector_load_idx %arg6[%min3A_154] : memref<2064xf32, #tpu.memory_space<vmem>>[vector<16xi32>], vector<16xf32>,
      %jit3A_156 = arith.constant 0.000000e+00 : f32
      %broadcast_in_dim3A_157 = vector.broadcast %jit3A_156 : f32 to vector<16xf32>
      %select_n3A_158 = arith.select %lt3A_150, %gather3A_155, %broadcast_in_dim3A_157 : vector<16xi1>, vector<16xf32>
      %mul3A_159 = arith.constant 16 : i32
      %mul3A_160 = arith.muli %scan3A_145, %mul3A_159 : i32
      %swap3A_161 = arith.index_cast %mul3A_160 : i32 to index
      %swap3A_162 = tpu.vector_load %arg7[%swap3A_161] {strides = array<i32>} : memref<2048xf32, #tpu.memory_space<vmem>>, vector<16xf32>,
      tpu.vector_store %arg7[%swap3A_161], %select_n3A_158 {strides = array<i32>} : memref<2048xf32, #tpu.memory_space<vmem>>, vector<16xf32>,
      %scan3A_163 = arith.constant 0 : i32
      %scan3A_164 = arith.constant 2 : i32
      %scan3A_165 = arith.addi %scan3A_126, %scan3A_164 : i32
      %mul3A_166 = arith.constant 16 : i32
      %mul3A_167 = arith.muli %scan3A_165, %mul3A_166 : i32
      %add3A_168 = vector.broadcast %mul3A_167 : i32 to vector<16xi32>
      %add3A_169 = arith.addi %add3A_168, %iota3A : vector<16xi32>
      %lt3A_170 = arith.cmpi slt, %add3A_169, %broadcast_in_dim3A_38 : vector<16xi32>
      %add3A_171 = arith.addi %add3A_169, %broadcast_in_dim3A_37 : vector<16xi32>
      %min3A_172 = arith.constant 2063 : i32
      %min3A_173 = vector.broadcast %min3A_172 : i32 to vector<16xi32>
      %min3A_174 = arith.minsi %add3A_171, %min3A_173 : vector<16xi32>
      %gather3A_175 = tpu.vector_load_idx %arg6[%min3A_174] : memref<2064xf32, #tpu.memory_space<vmem>>[vector<16xi32>], vector<16xf32>,
      %jit3A_176 = arith.constant 0.000000e+00 : f32
      %broadcast_in_dim3A_177 = vector.broadcast %jit3A_176 : f32 to vector<16xf32>
      %select_n3A_178 = arith.select %lt3A_170, %gather3A_175, %broadcast_in_dim3A_177 : vector<16xi1>, vector<16xf32>
      %mul3A_179 = arith.constant 16 : i32
      %mul3A_180 = arith.muli %scan3A_165, %mul3A_179 : i32
      %swap3A_181 = arith.index_cast %mul3A_180 : i32 to index
      %swap3A_182 = tpu.vector_load %arg7[%swap3A_181] {strides = array<i32>} : memref<2048xf32, #tpu.memory_space<vmem>>, vector<16xf32>,
      tpu.vector_store %arg7[%swap3A_181], %select_n3A_178 {strides = array<i32>} : memref<2048xf32, #tpu.memory_space<vmem>>, vector<16xf32>,
      %scan3A_183 = arith.constant 0 : i32
      %scan3A_184 = arith.constant 3 : i32
      %scan3A_185 = arith.addi %scan3A_126, %scan3A_184 : i32
      %mul3A_186 = arith.constant 16 : i32
      %mul3A_187 = arith.muli %scan3A_185, %mul3A_186 : i32
      %add3A_188 = vector.broadcast %mul3A_187 : i32 to vector<16xi32>
      %add3A_189 = arith.addi %add3A_188, %iota3A : vector<16xi32>
      %lt3A_190 = arith.cmpi slt, %add3A_189, %broadcast_in_dim3A_38 : vector<16xi32>
      %add3A_191 = arith.addi %add3A_189, %broadcast_in_dim3A_37 : vector<16xi32>
      %min3A_192 = arith.constant 2063 : i32
      %min3A_193 = vector.broadcast %min3A_192 : i32 to vector<16xi32>
      %min3A_194 = arith.minsi %add3A_191, %min3A_193 : vector<16xi32>
      %gather3A_195 = tpu.vector_load_idx %arg6[%min3A_194] : memref<2064xf32, #tpu.memory_space<vmem>>[vector<16xi32>], vector<16xf32>,
      %jit3A_196 = arith.constant 0.000000e+00 : f32
      %broadcast_in_dim3A_197 = vector.broadcast %jit3A_196 : f32 to vector<16xf32>
      %select_n3A_198 = arith.select %lt3A_190, %gather3A_195, %broadcast_in_dim3A_197 : vector<16xi1>, vector<16xf32>
      %mul3A_199 = arith.constant 16 : i32
      %mul3A_200 = arith.muli %scan3A_185, %mul3A_199 : i32
      %swap3A_201 = arith.index_cast %mul3A_200 : i32 to index
      %swap3A_202 = tpu.vector_load %arg7[%swap3A_201] {strides = array<i32>} : memref<2048xf32, #tpu.memory_space<vmem>>, vector<16xf32>,
      tpu.vector_store %arg7[%swap3A_201], %select_n3A_198 {strides = array<i32>} : memref<2048xf32, #tpu.memory_space<vmem>>, vector<16xf32>,
      %scan3A_203 = arith.constant 0 : i32
      %scan3A_204 = arith.constant 4 : i32
      %scan3A_205 = arith.addi %scan3A_126, %scan3A_204 : i32
      %mul3A_206 = arith.constant 16 : i32
      %mul3A_207 = arith.muli %scan3A_205, %mul3A_206 : i32
      %add3A_208 = vector.broadcast %mul3A_207 : i32 to vector<16xi32>
      %add3A_209 = arith.addi %add3A_208, %iota3A : vector<16xi32>
      %lt3A_210 = arith.cmpi slt, %add3A_209, %broadcast_in_dim3A_38 : vector<16xi32>
      %add3A_211 = arith.addi %add3A_209, %broadcast_in_dim3A_37 : vector<16xi32>
      %min3A_212 = arith.constant 2063 : i32
      %min3A_213 = vector.broadcast %min3A_212 : i32 to vector<16xi32>
      %min3A_214 = arith.minsi %add3A_211, %min3A_213 : vector<16xi32>
      %gather3A_215 = tpu.vector_load_idx %arg6[%min3A_214] : memref<2064xf32, #tpu.memory_space<vmem>>[vector<16xi32>], vector<16xf32>,
      %jit3A_216 = arith.constant 0.000000e+00 : f32
      %broadcast_in_dim3A_217 = vector.broadcast %jit3A_216 : f32 to vector<16xf32>
      %select_n3A_218 = arith.select %lt3A_210, %gather3A_215, %broadcast_in_dim3A_217 : vector<16xi1>, vector<16xf32>
      %mul3A_219 = arith.constant 16 : i32
      %mul3A_220 = arith.muli %scan3A_205, %mul3A_219 : i32
      %swap3A_221 = arith.index_cast %mul3A_220 : i32 to index
      %swap3A_222 = tpu.vector_load %arg7[%swap3A_221] {strides = array<i32>} : memref<2048xf32, #tpu.memory_space<vmem>>, vector<16xf32>,
      tpu.vector_store %arg7[%swap3A_221], %select_n3A_218 {strides = array<i32>} : memref<2048xf32, #tpu.memory_space<vmem>>, vector<16xf32>,
      %scan3A_223 = arith.constant 0 : i32
      %scan3A_224 = arith.constant 5 : i32
      %scan3A_225 = arith.addi %scan3A_126, %scan3A_224 : i32
      %mul3A_226 = arith.constant 16 : i32
      %mul3A_227 = arith.muli %scan3A_225, %mul3A_226 : i32
      %add3A_228 = vector.broadcast %mul3A_227 : i32 to vector<16xi32>
      %add3A_229 = arith.addi %add3A_228, %iota3A : vector<16xi32>
      %lt3A_230 = arith.cmpi slt, %add3A_229, %broadcast_in_dim3A_38 : vector<16xi32>
      %add3A_231 = arith.addi %add3A_229, %broadcast_in_dim3A_37 : vector<16xi32>
      %min3A_232 = arith.constant 2063 : i32
      %min3A_233 = vector.broadcast %min3A_232 : i32 to vector<16xi32>
      %min3A_234 = arith.minsi %add3A_231, %min3A_233 : vector<16xi32>
      %gather3A_235 = tpu.vector_load_idx %arg6[%min3A_234] : memref<2064xf32, #tpu.memory_space<vmem>>[vector<16xi32>], vector<16xf32>,
      %jit3A_236 = arith.constant 0.000000e+00 : f32
      %broadcast_in_dim3A_237 = vector.broadcast %jit3A_236 : f32 to vector<16xf32>
      %select_n3A_238 = arith.select %lt3A_230, %gather3A_235, %broadcast_in_dim3A_237 : vector<16xi1>, vector<16xf32>
      %mul3A_239 = arith.constant 16 : i32
      %mul3A_240 = arith.muli %scan3A_225, %mul3A_239 : i32
      %swap3A_241 = arith.index_cast %mul3A_240 : i32 to index
      %swap3A_242 = tpu.vector_load %arg7[%swap3A_241] {strides = array<i32>} : memref<2048xf32, #tpu.memory_space<vmem>>, vector<16xf32>,
      tpu.vector_store %arg7[%swap3A_241], %select_n3A_238 {strides = array<i32>} : memref<2048xf32, #tpu.memory_space<vmem>>, vector<16xf32>,
      %scan3A_243 = arith.constant 0 : i32
      %scan3A_244 = arith.constant 6 : i32
      %scan3A_245 = arith.addi %scan3A_126, %scan3A_244 : i32
      %mul3A_246 = arith.constant 16 : i32
      %mul3A_247 = arith.muli %scan3A_245, %mul3A_246 : i32
      %add3A_248 = vector.broadcast %mul3A_247 : i32 to vector<16xi32>
      %add3A_249 = arith.addi %add3A_248, %iota3A : vector<16xi32>
      %lt3A_250 = arith.cmpi slt, %add3A_249, %broadcast_in_dim3A_38 : vector<16xi32>
      %add3A_251 = arith.addi %add3A_249, %broadcast_in_dim3A_37 : vector<16xi32>
      %min3A_252 = arith.constant 2063 : i32
      %min3A_253 = vector.broadcast %min3A_252 : i32 to vector<16xi32>
      %min3A_254 = arith.minsi %add3A_251, %min3A_253 : vector<16xi32>
      %gather3A_255 = tpu.vector_load_idx %arg6[%min3A_254] : memref<2064xf32, #tpu.memory_space<vmem>>[vector<16xi32>], vector<16xf32>,
      %jit3A_256 = arith.constant 0.000000e+00 : f32
      %broadcast_in_dim3A_257 = vector.broadcast %jit3A_256 : f32 to vector<16xf32>
      %select_n3A_258 = arith.select %lt3A_250, %gather3A_255, %broadcast_in_dim3A_257 : vector<16xi1>, vector<16xf32>
      %mul3A_259 = arith.constant 16 : i32
      %mul3A_260 = arith.muli %scan3A_245, %mul3A_259 : i32
      %swap3A_261 = arith.index_cast %mul3A_260 : i32 to index
      %swap3A_262 = tpu.vector_load %arg7[%swap3A_261] {strides = array<i32>} : memref<2048xf32, #tpu.memory_space<vmem>>, vector<16xf32>,
      tpu.vector_store %arg7[%swap3A_261], %select_n3A_258 {strides = array<i32>} : memref<2048xf32, #tpu.memory_space<vmem>>, vector<16xf32>,
      %scan3A_263 = arith.constant 0 : i32
      %scan3A_264 = arith.constant 7 : i32
      %scan3A_265 = arith.addi %scan3A_126, %scan3A_264 : i32
      %mul3A_266 = arith.constant 16 : i32
      %mul3A_267 = arith.muli %scan3A_265, %mul3A_266 : i32
      %add3A_268 = vector.broadcast %mul3A_267 : i32 to vector<16xi32>
      %add3A_269 = arith.addi %add3A_268, %iota3A : vector<16xi32>
      %lt3A_270 = arith.cmpi slt, %add3A_269, %broadcast_in_dim3A_38 : vector<16xi32>
      %add3A_271 = arith.addi %add3A_269, %broadcast_in_dim3A_37 : vector<16xi32>
      %min3A_272 = arith.constant 2063 : i32
      %min3A_273 = vector.broadcast %min3A_272 : i32 to vector<16xi32>
      %min3A_274 = arith.minsi %add3A_271, %min3A_273 : vector<16xi32>
      %gather3A_275 = tpu.vector_load_idx %arg6[%min3A_274] : memref<2064xf32, #tpu.memory_space<vmem>>[vector<16xi32>], vector<16xf32>,
      %jit3A_276 = arith.constant 0.000000e+00 : f32
      %broadcast_in_dim3A_277 = vector.broadcast %jit3A_276 : f32 to vector<16xf32>
      %select_n3A_278 = arith.select %lt3A_270, %gather3A_275, %broadcast_in_dim3A_277 : vector<16xi1>, vector<16xf32>
      %mul3A_279 = arith.constant 16 : i32
      %mul3A_280 = arith.muli %scan3A_265, %mul3A_279 : i32
      %swap3A_281 = arith.index_cast %mul3A_280 : i32 to index
      %swap3A_282 = tpu.vector_load %arg7[%swap3A_281] {strides = array<i32>} : memref<2048xf32, #tpu.memory_space<vmem>>, vector<16xf32>,
      tpu.vector_store %arg7[%swap3A_281], %select_n3A_278 {strides = array<i32>} : memref<2048xf32, #tpu.memory_space<vmem>>, vector<16xf32>,
      %scan3A_283 = arith.constant 0 : i32
      scf.yield %scan3A_283 : i32
    }
    %scan3A_50 = arith.constant 32 : i32
    %add3A_51 = arith.constant 0 : i32
    %add3A_52 = arith.addi %multiple_of3A_44, %add3A_51 : i32
    %dma_start3A = arith.constant 0 : i32
    %dma_start3A_53 = tpu.memref_slice %arg7[%dma_start3A] : memref<2048xf32, #tpu.memory_space<vmem>> -> memref<512xf32, #tpu.memory_space<vmem>>
    %dma_start3A_54 = tpu.memref_slice %arg4[%add3A_52] : memref<65536xf32, #tpu.memory_space<hbm>> -> memref<512xf32, #tpu.memory_space<hbm>>
    %dma_start3A_55 = tpu.memref_slice %arg4[%add3A_52] : memref<65536xf32, #tpu.memory_space<hbm>> -> memref<512xf32, #tpu.memory_space<hbm>>
    %dma_start3A_56 = arith.constant 0 : i32
    %dma_start3A_57 = tpu.memref_slice %arg7[%dma_start3A_56] : memref<2048xf32, #tpu.memory_space<vmem>> -> memref<512xf32, #tpu.memory_space<vmem>>
    tpu.enqueue_dma source(%dma_start3A_57 : memref<512xf32, #tpu.memory_space<vmem>>) target(%dma_start3A_55 : memref<512xf32, #tpu.memory_space<hbm>>) target_semaphore(%arg8 : memref<!tpu.dma_semaphore, #tpu.memory_space<semaphore_mem>>)
    %scan3A_58 = arith.constant 0 : i32
    %scan3A_59 = arith.constant 32 : i32
    %scan3A_60 = arith.constant 32 : i32
    %scan3A_61 = arith.addi %scan3A_59, %scan3A_60 : i32
    %scan3A_62 = arith.constant 8 : i32
    %scan3A_63 = scf.for %scan3A_126 = %scan3A_59 to %scan3A_61 step %scan3A_62 iter_args(%scan3A_127 = %scan3A_58) -> (i32)  : i32 {
      %mul3A_128 = arith.constant 16 : i32
      %mul3A_129 = arith.muli %scan3A_126, %mul3A_128 : i32
      %add3A_130 = vector.broadcast %mul3A_129 : i32 to vector<16xi32>
      %add3A_131 = arith.addi %add3A_130, %iota3A : vector<16xi32>
      %lt3A = arith.cmpi slt, %add3A_131, %broadcast_in_dim3A_38 : vector<16xi32>
      %add3A_132 = arith.addi %add3A_131, %broadcast_in_dim3A_37 : vector<16xi32>
      %min3A_133 = arith.constant 2063 : i32
      %min3A_134 = vector.broadcast %min3A_133 : i32 to vector<16xi32>
      %min3A_135 = arith.minsi %add3A_132, %min3A_134 : vector<16xi32>
      %gather3A_136 = tpu.vector_load_idx %arg6[%min3A_135] : memref<2064xf32, #tpu.memory_space<vmem>>[vector<16xi32>], vector<16xf32>,
      %jit3A_137 = arith.constant 0.000000e+00 : f32
      %broadcast_in_dim3A_138 = vector.broadcast %jit3A_137 : f32 to vector<16xf32>
      %select_n3A_139 = arith.select %lt3A, %gather3A_136, %broadcast_in_dim3A_138 : vector<16xi1>, vector<16xf32>
      %mul3A_140 = arith.constant 16 : i32
      %mul3A_141 = arith.muli %scan3A_126, %mul3A_140 : i32
      %swap3A = arith.index_cast %mul3A_141 : i32 to index
      %swap3A_142 = tpu.vector_load %arg7[%swap3A] {strides = array<i32>} : memref<2048xf32, #tpu.memory_space<vmem>>, vector<16xf32>,
      tpu.vector_store %arg7[%swap3A], %select_n3A_139 {strides = array<i32>} : memref<2048xf32, #tpu.memory_space<vmem>>, vector<16xf32>,
      %scan3A_143 = arith.constant 0 : i32
      %scan3A_144 = arith.constant 1 : i32
      %scan3A_145 = arith.addi %scan3A_126, %scan3A_144 : i32
      %mul3A_146 = arith.constant 16 : i32
      %mul3A_147 = arith.muli %scan3A_145, %mul3A_146 : i32
      %add3A_148 = vector.broadcast %mul3A_147 : i32 to vector<16xi32>
      %add3A_149 = arith.addi %add3A_148, %iota3A : vector<16xi32>
      %lt3A_150 = arith.cmpi slt, %add3A_149, %broadcast_in_dim3A_38 : vector<16xi32>
      %add3A_151 = arith.addi %add3A_149, %broadcast_in_dim3A_37 : vector<16xi32>
      %min3A_152 = arith.constant 2063 : i32
      %min3A_153 = vector.broadcast %min3A_152 : i32 to vector<16xi32>
      %min3A_154 = arith.minsi %add3A_151, %min3A_153 : vector<16xi32>
      %gather3A_155 = tpu.vector_load_idx %arg6[%min3A_154] : memref<2064xf32, #tpu.memory_space<vmem>>[vector<16xi32>], vector<16xf32>,
      %jit3A_156 = arith.constant 0.000000e+00 : f32
      %broadcast_in_dim3A_157 = vector.broadcast %jit3A_156 : f32 to vector<16xf32>
      %select_n3A_158 = arith.select %lt3A_150, %gather3A_155, %broadcast_in_dim3A_157 : vector<16xi1>, vector<16xf32>
      %mul3A_159 = arith.constant 16 : i32
      %mul3A_160 = arith.muli %scan3A_145, %mul3A_159 : i32
      %swap3A_161 = arith.index_cast %mul3A_160 : i32 to index
      %swap3A_162 = tpu.vector_load %arg7[%swap3A_161] {strides = array<i32>} : memref<2048xf32, #tpu.memory_space<vmem>>, vector<16xf32>,
      tpu.vector_store %arg7[%swap3A_161], %select_n3A_158 {strides = array<i32>} : memref<2048xf32, #tpu.memory_space<vmem>>, vector<16xf32>,
      %scan3A_163 = arith.constant 0 : i32
      %scan3A_164 = arith.constant 2 : i32
      %scan3A_165 = arith.addi %scan3A_126, %scan3A_164 : i32
      %mul3A_166 = arith.constant 16 : i32
      %mul3A_167 = arith.muli %scan3A_165, %mul3A_166 : i32
      %add3A_168 = vector.broadcast %mul3A_167 : i32 to vector<16xi32>
      %add3A_169 = arith.addi %add3A_168, %iota3A : vector<16xi32>
      %lt3A_170 = arith.cmpi slt, %add3A_169, %broadcast_in_dim3A_38 : vector<16xi32>
      %add3A_171 = arith.addi %add3A_169, %broadcast_in_dim3A_37 : vector<16xi32>
      %min3A_172 = arith.constant 2063 : i32
      %min3A_173 = vector.broadcast %min3A_172 : i32 to vector<16xi32>
      %min3A_174 = arith.minsi %add3A_171, %min3A_173 : vector<16xi32>
      %gather3A_175 = tpu.vector_load_idx %arg6[%min3A_174] : memref<2064xf32, #tpu.memory_space<vmem>>[vector<16xi32>], vector<16xf32>,
      %jit3A_176 = arith.constant 0.000000e+00 : f32
      %broadcast_in_dim3A_177 = vector.broadcast %jit3A_176 : f32 to vector<16xf32>
      %select_n3A_178 = arith.select %lt3A_170, %gather3A_175, %broadcast_in_dim3A_177 : vector<16xi1>, vector<16xf32>
      %mul3A_179 = arith.constant 16 : i32
      %mul3A_180 = arith.muli %scan3A_165, %mul3A_179 : i32
      %swap3A_181 = arith.index_cast %mul3A_180 : i32 to index
      %swap3A_182 = tpu.vector_load %arg7[%swap3A_181] {strides = array<i32>} : memref<2048xf32, #tpu.memory_space<vmem>>, vector<16xf32>,
      tpu.vector_store %arg7[%swap3A_181], %select_n3A_178 {strides = array<i32>} : memref<2048xf32, #tpu.memory_space<vmem>>, vector<16xf32>,
      %scan3A_183 = arith.constant 0 : i32
      %scan3A_184 = arith.constant 3 : i32
      %scan3A_185 = arith.addi %scan3A_126, %scan3A_184 : i32
      %mul3A_186 = arith.constant 16 : i32
      %mul3A_187 = arith.muli %scan3A_185, %mul3A_186 : i32
      %add3A_188 = vector.broadcast %mul3A_187 : i32 to vector<16xi32>
      %add3A_189 = arith.addi %add3A_188, %iota3A : vector<16xi32>
      %lt3A_190 = arith.cmpi slt, %add3A_189, %broadcast_in_dim3A_38 : vector<16xi32>
      %add3A_191 = arith.addi %add3A_189, %broadcast_in_dim3A_37 : vector<16xi32>
      %min3A_192 = arith.constant 2063 : i32
      %min3A_193 = vector.broadcast %min3A_192 : i32 to vector<16xi32>
      %min3A_194 = arith.minsi %add3A_191, %min3A_193 : vector<16xi32>
      %gather3A_195 = tpu.vector_load_idx %arg6[%min3A_194] : memref<2064xf32, #tpu.memory_space<vmem>>[vector<16xi32>], vector<16xf32>,
      %jit3A_196 = arith.constant 0.000000e+00 : f32
      %broadcast_in_dim3A_197 = vector.broadcast %jit3A_196 : f32 to vector<16xf32>
      %select_n3A_198 = arith.select %lt3A_190, %gather3A_195, %broadcast_in_dim3A_197 : vector<16xi1>, vector<16xf32>
      %mul3A_199 = arith.constant 16 : i32
      %mul3A_200 = arith.muli %scan3A_185, %mul3A_199 : i32
      %swap3A_201 = arith.index_cast %mul3A_200 : i32 to index
      %swap3A_202 = tpu.vector_load %arg7[%swap3A_201] {strides = array<i32>} : memref<2048xf32, #tpu.memory_space<vmem>>, vector<16xf32>,
      tpu.vector_store %arg7[%swap3A_201], %select_n3A_198 {strides = array<i32>} : memref<2048xf32, #tpu.memory_space<vmem>>, vector<16xf32>,
      %scan3A_203 = arith.constant 0 : i32
      %scan3A_204 = arith.constant 4 : i32
      %scan3A_205 = arith.addi %scan3A_126, %scan3A_204 : i32
      %mul3A_206 = arith.constant 16 : i32
      %mul3A_207 = arith.muli %scan3A_205, %mul3A_206 : i32
      %add3A_208 = vector.broadcast %mul3A_207 : i32 to vector<16xi32>
      %add3A_209 = arith.addi %add3A_208, %iota3A : vector<16xi32>
      %lt3A_210 = arith.cmpi slt, %add3A_209, %broadcast_in_dim3A_38 : vector<16xi32>
      %add3A_211 = arith.addi %add3A_209, %broadcast_in_dim3A_37 : vector<16xi32>
      %min3A_212 = arith.constant 2063 : i32
      %min3A_213 = vector.broadcast %min3A_212 : i32 to vector<16xi32>
      %min3A_214 = arith.minsi %add3A_211, %min3A_213 : vector<16xi32>
      %gather3A_215 = tpu.vector_load_idx %arg6[%min3A_214] : memref<2064xf32, #tpu.memory_space<vmem>>[vector<16xi32>], vector<16xf32>,
      %jit3A_216 = arith.constant 0.000000e+00 : f32
      %broadcast_in_dim3A_217 = vector.broadcast %jit3A_216 : f32 to vector<16xf32>
      %select_n3A_218 = arith.select %lt3A_210, %gather3A_215, %broadcast_in_dim3A_217 : vector<16xi1>, vector<16xf32>
      %mul3A_219 = arith.constant 16 : i32
      %mul3A_220 = arith.muli %scan3A_205, %mul3A_219 : i32
      %swap3A_221 = arith.index_cast %mul3A_220 : i32 to index
      %swap3A_222 = tpu.vector_load %arg7[%swap3A_221] {strides = array<i32>} : memref<2048xf32, #tpu.memory_space<vmem>>, vector<16xf32>,
      tpu.vector_store %arg7[%swap3A_221], %select_n3A_218 {strides = array<i32>} : memref<2048xf32, #tpu.memory_space<vmem>>, vector<16xf32>,
      %scan3A_223 = arith.constant 0 : i32
      %scan3A_224 = arith.constant 5 : i32
      %scan3A_225 = arith.addi %scan3A_126, %scan3A_224 : i32
      %mul3A_226 = arith.constant 16 : i32
      %mul3A_227 = arith.muli %scan3A_225, %mul3A_226 : i32
      %add3A_228 = vector.broadcast %mul3A_227 : i32 to vector<16xi32>
      %add3A_229 = arith.addi %add3A_228, %iota3A : vector<16xi32>
      %lt3A_230 = arith.cmpi slt, %add3A_229, %broadcast_in_dim3A_38 : vector<16xi32>
      %add3A_231 = arith.addi %add3A_229, %broadcast_in_dim3A_37 : vector<16xi32>
      %min3A_232 = arith.constant 2063 : i32
      %min3A_233 = vector.broadcast %min3A_232 : i32 to vector<16xi32>
      %min3A_234 = arith.minsi %add3A_231, %min3A_233 : vector<16xi32>
      %gather3A_235 = tpu.vector_load_idx %arg6[%min3A_234] : memref<2064xf32, #tpu.memory_space<vmem>>[vector<16xi32>], vector<16xf32>,
      %jit3A_236 = arith.constant 0.000000e+00 : f32
      %broadcast_in_dim3A_237 = vector.broadcast %jit3A_236 : f32 to vector<16xf32>
      %select_n3A_238 = arith.select %lt3A_230, %gather3A_235, %broadcast_in_dim3A_237 : vector<16xi1>, vector<16xf32>
      %mul3A_239 = arith.constant 16 : i32
      %mul3A_240 = arith.muli %scan3A_225, %mul3A_239 : i32
      %swap3A_241 = arith.index_cast %mul3A_240 : i32 to index
      %swap3A_242 = tpu.vector_load %arg7[%swap3A_241] {strides = array<i32>} : memref<2048xf32, #tpu.memory_space<vmem>>, vector<16xf32>,
      tpu.vector_store %arg7[%swap3A_241], %select_n3A_238 {strides = array<i32>} : memref<2048xf32, #tpu.memory_space<vmem>>, vector<16xf32>,
      %scan3A_243 = arith.constant 0 : i32
      %scan3A_244 = arith.constant 6 : i32
      %scan3A_245 = arith.addi %scan3A_126, %scan3A_244 : i32
      %mul3A_246 = arith.constant 16 : i32
      %mul3A_247 = arith.muli %scan3A_245, %mul3A_246 : i32
      %add3A_248 = vector.broadcast %mul3A_247 : i32 to vector<16xi32>
      %add3A_249 = arith.addi %add3A_248, %iota3A : vector<16xi32>
      %lt3A_250 = arith.cmpi slt, %add3A_249, %broadcast_in_dim3A_38 : vector<16xi32>
      %add3A_251 = arith.addi %add3A_249, %broadcast_in_dim3A_37 : vector<16xi32>
      %min3A_252 = arith.constant 2063 : i32
      %min3A_253 = vector.broadcast %min3A_252 : i32 to vector<16xi32>
      %min3A_254 = arith.minsi %add3A_251, %min3A_253 : vector<16xi32>
      %gather3A_255 = tpu.vector_load_idx %arg6[%min3A_254] : memref<2064xf32, #tpu.memory_space<vmem>>[vector<16xi32>], vector<16xf32>,
      %jit3A_256 = arith.constant 0.000000e+00 : f32
      %broadcast_in_dim3A_257 = vector.broadcast %jit3A_256 : f32 to vector<16xf32>
      %select_n3A_258 = arith.select %lt3A_250, %gather3A_255, %broadcast_in_dim3A_257 : vector<16xi1>, vector<16xf32>
      %mul3A_259 = arith.constant 16 : i32
      %mul3A_260 = arith.muli %scan3A_245, %mul3A_259 : i32
      %swap3A_261 = arith.index_cast %mul3A_260 : i32 to index
      %swap3A_262 = tpu.vector_load %arg7[%swap3A_261] {strides = array<i32>} : memref<2048xf32, #tpu.memory_space<vmem>>, vector<16xf32>,
      tpu.vector_store %arg7[%swap3A_261], %select_n3A_258 {strides = array<i32>} : memref<2048xf32, #tpu.memory_space<vmem>>, vector<16xf32>,
      %scan3A_263 = arith.constant 0 : i32
      %scan3A_264 = arith.constant 7 : i32
      %scan3A_265 = arith.addi %scan3A_126, %scan3A_264 : i32
      %mul3A_266 = arith.constant 16 : i32
      %mul3A_267 = arith.muli %scan3A_265, %mul3A_266 : i32
      %add3A_268 = vector.broadcast %mul3A_267 : i32 to vector<16xi32>
      %add3A_269 = arith.addi %add3A_268, %iota3A : vector<16xi32>
      %lt3A_270 = arith.cmpi slt, %add3A_269, %broadcast_in_dim3A_38 : vector<16xi32>
      %add3A_271 = arith.addi %add3A_269, %broadcast_in_dim3A_37 : vector<16xi32>
      %min3A_272 = arith.constant 2063 : i32
      %min3A_273 = vector.broadcast %min3A_272 : i32 to vector<16xi32>
      %min3A_274 = arith.minsi %add3A_271, %min3A_273 : vector<16xi32>
      %gather3A_275 = tpu.vector_load_idx %arg6[%min3A_274] : memref<2064xf32, #tpu.memory_space<vmem>>[vector<16xi32>], vector<16xf32>,
      %jit3A_276 = arith.constant 0.000000e+00 : f32
      %broadcast_in_dim3A_277 = vector.broadcast %jit3A_276 : f32 to vector<16xf32>
      %select_n3A_278 = arith.select %lt3A_270, %gather3A_275, %broadcast_in_dim3A_277 : vector<16xi1>, vector<16xf32>
      %mul3A_279 = arith.constant 16 : i32
      %mul3A_280 = arith.muli %scan3A_265, %mul3A_279 : i32
      %swap3A_281 = arith.index_cast %mul3A_280 : i32 to index
      %swap3A_282 = tpu.vector_load %arg7[%swap3A_281] {strides = array<i32>} : memref<2048xf32, #tpu.memory_space<vmem>>, vector<16xf32>,
      tpu.vector_store %arg7[%swap3A_281], %select_n3A_278 {strides = array<i32>} : memref<2048xf32, #tpu.memory_space<vmem>>, vector<16xf32>,
      %scan3A_283 = arith.constant 0 : i32
      scf.yield %scan3A_283 : i32
    }
    %scan3A_64 = arith.constant 32 : i32
    %add3A_65 = arith.constant 512 : i32
    %add3A_66 = arith.addi %multiple_of3A_44, %add3A_65 : i32
    %dma_start3A_67 = arith.constant 512 : i32
    %dma_start3A_68 = tpu.memref_slice %arg7[%dma_start3A_67] : memref<2048xf32, #tpu.memory_space<vmem>> -> memref<512xf32, #tpu.memory_space<vmem>>
    %dma_start3A_69 = tpu.memref_slice %arg4[%add3A_66] : memref<65536xf32, #tpu.memory_space<hbm>> -> memref<512xf32, #tpu.memory_space<hbm>>
    %dma_start3A_70 = tpu.memref_slice %arg4[%add3A_66] : memref<65536xf32, #tpu.memory_space<hbm>> -> memref<512xf32, #tpu.memory_space<hbm>>
    %dma_start3A_71 = arith.constant 512 : i32
    %dma_start3A_72 = tpu.memref_slice %arg7[%dma_start3A_71] : memref<2048xf32, #tpu.memory_space<vmem>> -> memref<512xf32, #tpu.memory_space<vmem>>
    tpu.enqueue_dma source(%dma_start3A_72 : memref<512xf32, #tpu.memory_space<vmem>>) target(%dma_start3A_70 : memref<512xf32, #tpu.memory_space<hbm>>) target_semaphore(%arg8 : memref<!tpu.dma_semaphore, #tpu.memory_space<semaphore_mem>>)
    %scan3A_73 = arith.constant 0 : i32
    %scan3A_74 = arith.constant 64 : i32
    %scan3A_75 = arith.constant 32 : i32
    %scan3A_76 = arith.addi %scan3A_74, %scan3A_75 : i32
    %scan3A_77 = arith.constant 8 : i32
    %scan3A_78 = scf.for %scan3A_126 = %scan3A_74 to %scan3A_76 step %scan3A_77 iter_args(%scan3A_127 = %scan3A_73) -> (i32)  : i32 {
      %mul3A_128 = arith.constant 16 : i32
      %mul3A_129 = arith.muli %scan3A_126, %mul3A_128 : i32
      %add3A_130 = vector.broadcast %mul3A_129 : i32 to vector<16xi32>
      %add3A_131 = arith.addi %add3A_130, %iota3A : vector<16xi32>
      %lt3A = arith.cmpi slt, %add3A_131, %broadcast_in_dim3A_38 : vector<16xi32>
      %add3A_132 = arith.addi %add3A_131, %broadcast_in_dim3A_37 : vector<16xi32>
      %min3A_133 = arith.constant 2063 : i32
      %min3A_134 = vector.broadcast %min3A_133 : i32 to vector<16xi32>
      %min3A_135 = arith.minsi %add3A_132, %min3A_134 : vector<16xi32>
      %gather3A_136 = tpu.vector_load_idx %arg6[%min3A_135] : memref<2064xf32, #tpu.memory_space<vmem>>[vector<16xi32>], vector<16xf32>,
      %jit3A_137 = arith.constant 0.000000e+00 : f32
      %broadcast_in_dim3A_138 = vector.broadcast %jit3A_137 : f32 to vector<16xf32>
      %select_n3A_139 = arith.select %lt3A, %gather3A_136, %broadcast_in_dim3A_138 : vector<16xi1>, vector<16xf32>
      %mul3A_140 = arith.constant 16 : i32
      %mul3A_141 = arith.muli %scan3A_126, %mul3A_140 : i32
      %swap3A = arith.index_cast %mul3A_141 : i32 to index
      %swap3A_142 = tpu.vector_load %arg7[%swap3A] {strides = array<i32>} : memref<2048xf32, #tpu.memory_space<vmem>>, vector<16xf32>,
      tpu.vector_store %arg7[%swap3A], %select_n3A_139 {strides = array<i32>} : memref<2048xf32, #tpu.memory_space<vmem>>, vector<16xf32>,
      %scan3A_143 = arith.constant 0 : i32
      %scan3A_144 = arith.constant 1 : i32
      %scan3A_145 = arith.addi %scan3A_126, %scan3A_144 : i32
      %mul3A_146 = arith.constant 16 : i32
      %mul3A_147 = arith.muli %scan3A_145, %mul3A_146 : i32
      %add3A_148 = vector.broadcast %mul3A_147 : i32 to vector<16xi32>
      %add3A_149 = arith.addi %add3A_148, %iota3A : vector<16xi32>
      %lt3A_150 = arith.cmpi slt, %add3A_149, %broadcast_in_dim3A_38 : vector<16xi32>
      %add3A_151 = arith.addi %add3A_149, %broadcast_in_dim3A_37 : vector<16xi32>
      %min3A_152 = arith.constant 2063 : i32
      %min3A_153 = vector.broadcast %min3A_152 : i32 to vector<16xi32>
      %min3A_154 = arith.minsi %add3A_151, %min3A_153 : vector<16xi32>
      %gather3A_155 = tpu.vector_load_idx %arg6[%min3A_154] : memref<2064xf32, #tpu.memory_space<vmem>>[vector<16xi32>], vector<16xf32>,
      %jit3A_156 = arith.constant 0.000000e+00 : f32
      %broadcast_in_dim3A_157 = vector.broadcast %jit3A_156 : f32 to vector<16xf32>
      %select_n3A_158 = arith.select %lt3A_150, %gather3A_155, %broadcast_in_dim3A_157 : vector<16xi1>, vector<16xf32>
      %mul3A_159 = arith.constant 16 : i32
      %mul3A_160 = arith.muli %scan3A_145, %mul3A_159 : i32
      %swap3A_161 = arith.index_cast %mul3A_160 : i32 to index
      %swap3A_162 = tpu.vector_load %arg7[%swap3A_161] {strides = array<i32>} : memref<2048xf32, #tpu.memory_space<vmem>>, vector<16xf32>,
      tpu.vector_store %arg7[%swap3A_161], %select_n3A_158 {strides = array<i32>} : memref<2048xf32, #tpu.memory_space<vmem>>, vector<16xf32>,
      %scan3A_163 = arith.constant 0 : i32
      %scan3A_164 = arith.constant 2 : i32
      %scan3A_165 = arith.addi %scan3A_126, %scan3A_164 : i32
      %mul3A_166 = arith.constant 16 : i32
      %mul3A_167 = arith.muli %scan3A_165, %mul3A_166 : i32
      %add3A_168 = vector.broadcast %mul3A_167 : i32 to vector<16xi32>
      %add3A_169 = arith.addi %add3A_168, %iota3A : vector<16xi32>
      %lt3A_170 = arith.cmpi slt, %add3A_169, %broadcast_in_dim3A_38 : vector<16xi32>
      %add3A_171 = arith.addi %add3A_169, %broadcast_in_dim3A_37 : vector<16xi32>
      %min3A_172 = arith.constant 2063 : i32
      %min3A_173 = vector.broadcast %min3A_172 : i32 to vector<16xi32>
      %min3A_174 = arith.minsi %add3A_171, %min3A_173 : vector<16xi32>
      %gather3A_175 = tpu.vector_load_idx %arg6[%min3A_174] : memref<2064xf32, #tpu.memory_space<vmem>>[vector<16xi32>], vector<16xf32>,
      %jit3A_176 = arith.constant 0.000000e+00 : f32
      %broadcast_in_dim3A_177 = vector.broadcast %jit3A_176 : f32 to vector<16xf32>
      %select_n3A_178 = arith.select %lt3A_170, %gather3A_175, %broadcast_in_dim3A_177 : vector<16xi1>, vector<16xf32>
      %mul3A_179 = arith.constant 16 : i32
      %mul3A_180 = arith.muli %scan3A_165, %mul3A_179 : i32
      %swap3A_181 = arith.index_cast %mul3A_180 : i32 to index
      %swap3A_182 = tpu.vector_load %arg7[%swap3A_181] {strides = array<i32>} : memref<2048xf32, #tpu.memory_space<vmem>>, vector<16xf32>,
      tpu.vector_store %arg7[%swap3A_181], %select_n3A_178 {strides = array<i32>} : memref<2048xf32, #tpu.memory_space<vmem>>, vector<16xf32>,
      %scan3A_183 = arith.constant 0 : i32
      %scan3A_184 = arith.constant 3 : i32
      %scan3A_185 = arith.addi %scan3A_126, %scan3A_184 : i32
      %mul3A_186 = arith.constant 16 : i32
      %mul3A_187 = arith.muli %scan3A_185, %mul3A_186 : i32
      %add3A_188 = vector.broadcast %mul3A_187 : i32 to vector<16xi32>
      %add3A_189 = arith.addi %add3A_188, %iota3A : vector<16xi32>
      %lt3A_190 = arith.cmpi slt, %add3A_189, %broadcast_in_dim3A_38 : vector<16xi32>
      %add3A_191 = arith.addi %add3A_189, %broadcast_in_dim3A_37 : vector<16xi32>
      %min3A_192 = arith.constant 2063 : i32
      %min3A_193 = vector.broadcast %min3A_192 : i32 to vector<16xi32>
      %min3A_194 = arith.minsi %add3A_191, %min3A_193 : vector<16xi32>
      %gather3A_195 = tpu.vector_load_idx %arg6[%min3A_194] : memref<2064xf32, #tpu.memory_space<vmem>>[vector<16xi32>], vector<16xf32>,
      %jit3A_196 = arith.constant 0.000000e+00 : f32
      %broadcast_in_dim3A_197 = vector.broadcast %jit3A_196 : f32 to vector<16xf32>
      %select_n3A_198 = arith.select %lt3A_190, %gather3A_195, %broadcast_in_dim3A_197 : vector<16xi1>, vector<16xf32>
      %mul3A_199 = arith.constant 16 : i32
      %mul3A_200 = arith.muli %scan3A_185, %mul3A_199 : i32
      %swap3A_201 = arith.index_cast %mul3A_200 : i32 to index
      %swap3A_202 = tpu.vector_load %arg7[%swap3A_201] {strides = array<i32>} : memref<2048xf32, #tpu.memory_space<vmem>>, vector<16xf32>,
      tpu.vector_store %arg7[%swap3A_201], %select_n3A_198 {strides = array<i32>} : memref<2048xf32, #tpu.memory_space<vmem>>, vector<16xf32>,
      %scan3A_203 = arith.constant 0 : i32
      %scan3A_204 = arith.constant 4 : i32
      %scan3A_205 = arith.addi %scan3A_126, %scan3A_204 : i32
      %mul3A_206 = arith.constant 16 : i32
      %mul3A_207 = arith.muli %scan3A_205, %mul3A_206 : i32
      %add3A_208 = vector.broadcast %mul3A_207 : i32 to vector<16xi32>
      %add3A_209 = arith.addi %add3A_208, %iota3A : vector<16xi32>
      %lt3A_210 = arith.cmpi slt, %add3A_209, %broadcast_in_dim3A_38 : vector<16xi32>
      %add3A_211 = arith.addi %add3A_209, %broadcast_in_dim3A_37 : vector<16xi32>
      %min3A_212 = arith.constant 2063 : i32
      %min3A_213 = vector.broadcast %min3A_212 : i32 to vector<16xi32>
      %min3A_214 = arith.minsi %add3A_211, %min3A_213 : vector<16xi32>
      %gather3A_215 = tpu.vector_load_idx %arg6[%min3A_214] : memref<2064xf32, #tpu.memory_space<vmem>>[vector<16xi32>], vector<16xf32>,
      %jit3A_216 = arith.constant 0.000000e+00 : f32
      %broadcast_in_dim3A_217 = vector.broadcast %jit3A_216 : f32 to vector<16xf32>
      %select_n3A_218 = arith.select %lt3A_210, %gather3A_215, %broadcast_in_dim3A_217 : vector<16xi1>, vector<16xf32>
      %mul3A_219 = arith.constant 16 : i32
      %mul3A_220 = arith.muli %scan3A_205, %mul3A_219 : i32
      %swap3A_221 = arith.index_cast %mul3A_220 : i32 to index
      %swap3A_222 = tpu.vector_load %arg7[%swap3A_221] {strides = array<i32>} : memref<2048xf32, #tpu.memory_space<vmem>>, vector<16xf32>,
      tpu.vector_store %arg7[%swap3A_221], %select_n3A_218 {strides = array<i32>} : memref<2048xf32, #tpu.memory_space<vmem>>, vector<16xf32>,
      %scan3A_223 = arith.constant 0 : i32
      %scan3A_224 = arith.constant 5 : i32
      %scan3A_225 = arith.addi %scan3A_126, %scan3A_224 : i32
      %mul3A_226 = arith.constant 16 : i32
      %mul3A_227 = arith.muli %scan3A_225, %mul3A_226 : i32
      %add3A_228 = vector.broadcast %mul3A_227 : i32 to vector<16xi32>
      %add3A_229 = arith.addi %add3A_228, %iota3A : vector<16xi32>
      %lt3A_230 = arith.cmpi slt, %add3A_229, %broadcast_in_dim3A_38 : vector<16xi32>
      %add3A_231 = arith.addi %add3A_229, %broadcast_in_dim3A_37 : vector<16xi32>
      %min3A_232 = arith.constant 2063 : i32
      %min3A_233 = vector.broadcast %min3A_232 : i32 to vector<16xi32>
      %min3A_234 = arith.minsi %add3A_231, %min3A_233 : vector<16xi32>
      %gather3A_235 = tpu.vector_load_idx %arg6[%min3A_234] : memref<2064xf32, #tpu.memory_space<vmem>>[vector<16xi32>], vector<16xf32>,
      %jit3A_236 = arith.constant 0.000000e+00 : f32
      %broadcast_in_dim3A_237 = vector.broadcast %jit3A_236 : f32 to vector<16xf32>
      %select_n3A_238 = arith.select %lt3A_230, %gather3A_235, %broadcast_in_dim3A_237 : vector<16xi1>, vector<16xf32>
      %mul3A_239 = arith.constant 16 : i32
      %mul3A_240 = arith.muli %scan3A_225, %mul3A_239 : i32
      %swap3A_241 = arith.index_cast %mul3A_240 : i32 to index
      %swap3A_242 = tpu.vector_load %arg7[%swap3A_241] {strides = array<i32>} : memref<2048xf32, #tpu.memory_space<vmem>>, vector<16xf32>,
      tpu.vector_store %arg7[%swap3A_241], %select_n3A_238 {strides = array<i32>} : memref<2048xf32, #tpu.memory_space<vmem>>, vector<16xf32>,
      %scan3A_243 = arith.constant 0 : i32
      %scan3A_244 = arith.constant 6 : i32
      %scan3A_245 = arith.addi %scan3A_126, %scan3A_244 : i32
      %mul3A_246 = arith.constant 16 : i32
      %mul3A_247 = arith.muli %scan3A_245, %mul3A_246 : i32
      %add3A_248 = vector.broadcast %mul3A_247 : i32 to vector<16xi32>
      %add3A_249 = arith.addi %add3A_248, %iota3A : vector<16xi32>
      %lt3A_250 = arith.cmpi slt, %add3A_249, %broadcast_in_dim3A_38 : vector<16xi32>
      %add3A_251 = arith.addi %add3A_249, %broadcast_in_dim3A_37 : vector<16xi32>
      %min3A_252 = arith.constant 2063 : i32
      %min3A_253 = vector.broadcast %min3A_252 : i32 to vector<16xi32>
      %min3A_254 = arith.minsi %add3A_251, %min3A_253 : vector<16xi32>
      %gather3A_255 = tpu.vector_load_idx %arg6[%min3A_254] : memref<2064xf32, #tpu.memory_space<vmem>>[vector<16xi32>], vector<16xf32>,
      %jit3A_256 = arith.constant 0.000000e+00 : f32
      %broadcast_in_dim3A_257 = vector.broadcast %jit3A_256 : f32 to vector<16xf32>
      %select_n3A_258 = arith.select %lt3A_250, %gather3A_255, %broadcast_in_dim3A_257 : vector<16xi1>, vector<16xf32>
      %mul3A_259 = arith.constant 16 : i32
      %mul3A_260 = arith.muli %scan3A_245, %mul3A_259 : i32
      %swap3A_261 = arith.index_cast %mul3A_260 : i32 to index
      %swap3A_262 = tpu.vector_load %arg7[%swap3A_261] {strides = array<i32>} : memref<2048xf32, #tpu.memory_space<vmem>>, vector<16xf32>,
      tpu.vector_store %arg7[%swap3A_261], %select_n3A_258 {strides = array<i32>} : memref<2048xf32, #tpu.memory_space<vmem>>, vector<16xf32>,
      %scan3A_263 = arith.constant 0 : i32
      %scan3A_264 = arith.constant 7 : i32
      %scan3A_265 = arith.addi %scan3A_126, %scan3A_264 : i32
      %mul3A_266 = arith.constant 16 : i32
      %mul3A_267 = arith.muli %scan3A_265, %mul3A_266 : i32
      %add3A_268 = vector.broadcast %mul3A_267 : i32 to vector<16xi32>
      %add3A_269 = arith.addi %add3A_268, %iota3A : vector<16xi32>
      %lt3A_270 = arith.cmpi slt, %add3A_269, %broadcast_in_dim3A_38 : vector<16xi32>
      %add3A_271 = arith.addi %add3A_269, %broadcast_in_dim3A_37 : vector<16xi32>
      %min3A_272 = arith.constant 2063 : i32
      %min3A_273 = vector.broadcast %min3A_272 : i32 to vector<16xi32>
      %min3A_274 = arith.minsi %add3A_271, %min3A_273 : vector<16xi32>
      %gather3A_275 = tpu.vector_load_idx %arg6[%min3A_274] : memref<2064xf32, #tpu.memory_space<vmem>>[vector<16xi32>], vector<16xf32>,
      %jit3A_276 = arith.constant 0.000000e+00 : f32
      %broadcast_in_dim3A_277 = vector.broadcast %jit3A_276 : f32 to vector<16xf32>
      %select_n3A_278 = arith.select %lt3A_270, %gather3A_275, %broadcast_in_dim3A_277 : vector<16xi1>, vector<16xf32>
      %mul3A_279 = arith.constant 16 : i32
      %mul3A_280 = arith.muli %scan3A_265, %mul3A_279 : i32
      %swap3A_281 = arith.index_cast %mul3A_280 : i32 to index
      %swap3A_282 = tpu.vector_load %arg7[%swap3A_281] {strides = array<i32>} : memref<2048xf32, #tpu.memory_space<vmem>>, vector<16xf32>,
      tpu.vector_store %arg7[%swap3A_281], %select_n3A_278 {strides = array<i32>} : memref<2048xf32, #tpu.memory_space<vmem>>, vector<16xf32>,
      %scan3A_283 = arith.constant 0 : i32
      scf.yield %scan3A_283 : i32
    }
    %scan3A_79 = arith.constant 32 : i32
    %add3A_80 = arith.constant 1024 : i32
    %add3A_81 = arith.addi %multiple_of3A_44, %add3A_80 : i32
    %dma_start3A_82 = arith.constant 1024 : i32
    %dma_start3A_83 = tpu.memref_slice %arg7[%dma_start3A_82] : memref<2048xf32, #tpu.memory_space<vmem>> -> memref<512xf32, #tpu.memory_space<vmem>>
    %dma_start3A_84 = tpu.memref_slice %arg4[%add3A_81] : memref<65536xf32, #tpu.memory_space<hbm>> -> memref<512xf32, #tpu.memory_space<hbm>>
    %dma_start3A_85 = tpu.memref_slice %arg4[%add3A_81] : memref<65536xf32, #tpu.memory_space<hbm>> -> memref<512xf32, #tpu.memory_space<hbm>>
    %dma_start3A_86 = arith.constant 1024 : i32
    %dma_start3A_87 = tpu.memref_slice %arg7[%dma_start3A_86] : memref<2048xf32, #tpu.memory_space<vmem>> -> memref<512xf32, #tpu.memory_space<vmem>>
    tpu.enqueue_dma source(%dma_start3A_87 : memref<512xf32, #tpu.memory_space<vmem>>) target(%dma_start3A_85 : memref<512xf32, #tpu.memory_space<hbm>>) target_semaphore(%arg8 : memref<!tpu.dma_semaphore, #tpu.memory_space<semaphore_mem>>)
    %scan3A_88 = arith.constant 0 : i32
    %scan3A_89 = arith.constant 96 : i32
    %scan3A_90 = arith.constant 32 : i32
    %scan3A_91 = arith.addi %scan3A_89, %scan3A_90 : i32
    %scan3A_92 = arith.constant 8 : i32
    %scan3A_93 = scf.for %scan3A_126 = %scan3A_89 to %scan3A_91 step %scan3A_92 iter_args(%scan3A_127 = %scan3A_88) -> (i32)  : i32 {
      %mul3A_128 = arith.constant 16 : i32
      %mul3A_129 = arith.muli %scan3A_126, %mul3A_128 : i32
      %add3A_130 = vector.broadcast %mul3A_129 : i32 to vector<16xi32>
      %add3A_131 = arith.addi %add3A_130, %iota3A : vector<16xi32>
      %lt3A = arith.cmpi slt, %add3A_131, %broadcast_in_dim3A_38 : vector<16xi32>
      %add3A_132 = arith.addi %add3A_131, %broadcast_in_dim3A_37 : vector<16xi32>
      %min3A_133 = arith.constant 2063 : i32
      %min3A_134 = vector.broadcast %min3A_133 : i32 to vector<16xi32>
      %min3A_135 = arith.minsi %add3A_132, %min3A_134 : vector<16xi32>
      %gather3A_136 = tpu.vector_load_idx %arg6[%min3A_135] : memref<2064xf32, #tpu.memory_space<vmem>>[vector<16xi32>], vector<16xf32>,
      %jit3A_137 = arith.constant 0.000000e+00 : f32
      %broadcast_in_dim3A_138 = vector.broadcast %jit3A_137 : f32 to vector<16xf32>
      %select_n3A_139 = arith.select %lt3A, %gather3A_136, %broadcast_in_dim3A_138 : vector<16xi1>, vector<16xf32>
      %mul3A_140 = arith.constant 16 : i32
      %mul3A_141 = arith.muli %scan3A_126, %mul3A_140 : i32
      %swap3A = arith.index_cast %mul3A_141 : i32 to index
      %swap3A_142 = tpu.vector_load %arg7[%swap3A] {strides = array<i32>} : memref<2048xf32, #tpu.memory_space<vmem>>, vector<16xf32>,
      tpu.vector_store %arg7[%swap3A], %select_n3A_139 {strides = array<i32>} : memref<2048xf32, #tpu.memory_space<vmem>>, vector<16xf32>,
      %scan3A_143 = arith.constant 0 : i32
      %scan3A_144 = arith.constant 1 : i32
      %scan3A_145 = arith.addi %scan3A_126, %scan3A_144 : i32
      %mul3A_146 = arith.constant 16 : i32
      %mul3A_147 = arith.muli %scan3A_145, %mul3A_146 : i32
      %add3A_148 = vector.broadcast %mul3A_147 : i32 to vector<16xi32>
      %add3A_149 = arith.addi %add3A_148, %iota3A : vector<16xi32>
      %lt3A_150 = arith.cmpi slt, %add3A_149, %broadcast_in_dim3A_38 : vector<16xi32>
      %add3A_151 = arith.addi %add3A_149, %broadcast_in_dim3A_37 : vector<16xi32>
      %min3A_152 = arith.constant 2063 : i32
      %min3A_153 = vector.broadcast %min3A_152 : i32 to vector<16xi32>
      %min3A_154 = arith.minsi %add3A_151, %min3A_153 : vector<16xi32>
      %gather3A_155 = tpu.vector_load_idx %arg6[%min3A_154] : memref<2064xf32, #tpu.memory_space<vmem>>[vector<16xi32>], vector<16xf32>,
      %jit3A_156 = arith.constant 0.000000e+00 : f32
      %broadcast_in_dim3A_157 = vector.broadcast %jit3A_156 : f32 to vector<16xf32>
      %select_n3A_158 = arith.select %lt3A_150, %gather3A_155, %broadcast_in_dim3A_157 : vector<16xi1>, vector<16xf32>
      %mul3A_159 = arith.constant 16 : i32
      %mul3A_160 = arith.muli %scan3A_145, %mul3A_159 : i32
      %swap3A_161 = arith.index_cast %mul3A_160 : i32 to index
      %swap3A_162 = tpu.vector_load %arg7[%swap3A_161] {strides = array<i32>} : memref<2048xf32, #tpu.memory_space<vmem>>, vector<16xf32>,
      tpu.vector_store %arg7[%swap3A_161], %select_n3A_158 {strides = array<i32>} : memref<2048xf32, #tpu.memory_space<vmem>>, vector<16xf32>,
      %scan3A_163 = arith.constant 0 : i32
      %scan3A_164 = arith.constant 2 : i32
      %scan3A_165 = arith.addi %scan3A_126, %scan3A_164 : i32
      %mul3A_166 = arith.constant 16 : i32
      %mul3A_167 = arith.muli %scan3A_165, %mul3A_166 : i32
      %add3A_168 = vector.broadcast %mul3A_167 : i32 to vector<16xi32>
      %add3A_169 = arith.addi %add3A_168, %iota3A : vector<16xi32>
      %lt3A_170 = arith.cmpi slt, %add3A_169, %broadcast_in_dim3A_38 : vector<16xi32>
      %add3A_171 = arith.addi %add3A_169, %broadcast_in_dim3A_37 : vector<16xi32>
      %min3A_172 = arith.constant 2063 : i32
      %min3A_173 = vector.broadcast %min3A_172 : i32 to vector<16xi32>
      %min3A_174 = arith.minsi %add3A_171, %min3A_173 : vector<16xi32>
      %gather3A_175 = tpu.vector_load_idx %arg6[%min3A_174] : memref<2064xf32, #tpu.memory_space<vmem>>[vector<16xi32>], vector<16xf32>,
      %jit3A_176 = arith.constant 0.000000e+00 : f32
      %broadcast_in_dim3A_177 = vector.broadcast %jit3A_176 : f32 to vector<16xf32>
      %select_n3A_178 = arith.select %lt3A_170, %gather3A_175, %broadcast_in_dim3A_177 : vector<16xi1>, vector<16xf32>
      %mul3A_179 = arith.constant 16 : i32
      %mul3A_180 = arith.muli %scan3A_165, %mul3A_179 : i32
      %swap3A_181 = arith.index_cast %mul3A_180 : i32 to index
      %swap3A_182 = tpu.vector_load %arg7[%swap3A_181] {strides = array<i32>} : memref<2048xf32, #tpu.memory_space<vmem>>, vector<16xf32>,
      tpu.vector_store %arg7[%swap3A_181], %select_n3A_178 {strides = array<i32>} : memref<2048xf32, #tpu.memory_space<vmem>>, vector<16xf32>,
      %scan3A_183 = arith.constant 0 : i32
      %scan3A_184 = arith.constant 3 : i32
      %scan3A_185 = arith.addi %scan3A_126, %scan3A_184 : i32
      %mul3A_186 = arith.constant 16 : i32
      %mul3A_187 = arith.muli %scan3A_185, %mul3A_186 : i32
      %add3A_188 = vector.broadcast %mul3A_187 : i32 to vector<16xi32>
      %add3A_189 = arith.addi %add3A_188, %iota3A : vector<16xi32>
      %lt3A_190 = arith.cmpi slt, %add3A_189, %broadcast_in_dim3A_38 : vector<16xi32>
      %add3A_191 = arith.addi %add3A_189, %broadcast_in_dim3A_37 : vector<16xi32>
      %min3A_192 = arith.constant 2063 : i32
      %min3A_193 = vector.broadcast %min3A_192 : i32 to vector<16xi32>
      %min3A_194 = arith.minsi %add3A_191, %min3A_193 : vector<16xi32>
      %gather3A_195 = tpu.vector_load_idx %arg6[%min3A_194] : memref<2064xf32, #tpu.memory_space<vmem>>[vector<16xi32>], vector<16xf32>,
      %jit3A_196 = arith.constant 0.000000e+00 : f32
      %broadcast_in_dim3A_197 = vector.broadcast %jit3A_196 : f32 to vector<16xf32>
      %select_n3A_198 = arith.select %lt3A_190, %gather3A_195, %broadcast_in_dim3A_197 : vector<16xi1>, vector<16xf32>
      %mul3A_199 = arith.constant 16 : i32
      %mul3A_200 = arith.muli %scan3A_185, %mul3A_199 : i32
      %swap3A_201 = arith.index_cast %mul3A_200 : i32 to index
      %swap3A_202 = tpu.vector_load %arg7[%swap3A_201] {strides = array<i32>} : memref<2048xf32, #tpu.memory_space<vmem>>, vector<16xf32>,
      tpu.vector_store %arg7[%swap3A_201], %select_n3A_198 {strides = array<i32>} : memref<2048xf32, #tpu.memory_space<vmem>>, vector<16xf32>,
      %scan3A_203 = arith.constant 0 : i32
      %scan3A_204 = arith.constant 4 : i32
      %scan3A_205 = arith.addi %scan3A_126, %scan3A_204 : i32
      %mul3A_206 = arith.constant 16 : i32
      %mul3A_207 = arith.muli %scan3A_205, %mul3A_206 : i32
      %add3A_208 = vector.broadcast %mul3A_207 : i32 to vector<16xi32>
      %add3A_209 = arith.addi %add3A_208, %iota3A : vector<16xi32>
      %lt3A_210 = arith.cmpi slt, %add3A_209, %broadcast_in_dim3A_38 : vector<16xi32>
      %add3A_211 = arith.addi %add3A_209, %broadcast_in_dim3A_37 : vector<16xi32>
      %min3A_212 = arith.constant 2063 : i32
      %min3A_213 = vector.broadcast %min3A_212 : i32 to vector<16xi32>
      %min3A_214 = arith.minsi %add3A_211, %min3A_213 : vector<16xi32>
      %gather3A_215 = tpu.vector_load_idx %arg6[%min3A_214] : memref<2064xf32, #tpu.memory_space<vmem>>[vector<16xi32>], vector<16xf32>,
      %jit3A_216 = arith.constant 0.000000e+00 : f32
      %broadcast_in_dim3A_217 = vector.broadcast %jit3A_216 : f32 to vector<16xf32>
      %select_n3A_218 = arith.select %lt3A_210, %gather3A_215, %broadcast_in_dim3A_217 : vector<16xi1>, vector<16xf32>
      %mul3A_219 = arith.constant 16 : i32
      %mul3A_220 = arith.muli %scan3A_205, %mul3A_219 : i32
      %swap3A_221 = arith.index_cast %mul3A_220 : i32 to index
      %swap3A_222 = tpu.vector_load %arg7[%swap3A_221] {strides = array<i32>} : memref<2048xf32, #tpu.memory_space<vmem>>, vector<16xf32>,
      tpu.vector_store %arg7[%swap3A_221], %select_n3A_218 {strides = array<i32>} : memref<2048xf32, #tpu.memory_space<vmem>>, vector<16xf32>,
      %scan3A_223 = arith.constant 0 : i32
      %scan3A_224 = arith.constant 5 : i32
      %scan3A_225 = arith.addi %scan3A_126, %scan3A_224 : i32
      %mul3A_226 = arith.constant 16 : i32
      %mul3A_227 = arith.muli %scan3A_225, %mul3A_226 : i32
      %add3A_228 = vector.broadcast %mul3A_227 : i32 to vector<16xi32>
      %add3A_229 = arith.addi %add3A_228, %iota3A : vector<16xi32>
      %lt3A_230 = arith.cmpi slt, %add3A_229, %broadcast_in_dim3A_38 : vector<16xi32>
      %add3A_231 = arith.addi %add3A_229, %broadcast_in_dim3A_37 : vector<16xi32>
      %min3A_232 = arith.constant 2063 : i32
      %min3A_233 = vector.broadcast %min3A_232 : i32 to vector<16xi32>
      %min3A_234 = arith.minsi %add3A_231, %min3A_233 : vector<16xi32>
      %gather3A_235 = tpu.vector_load_idx %arg6[%min3A_234] : memref<2064xf32, #tpu.memory_space<vmem>>[vector<16xi32>], vector<16xf32>,
      %jit3A_236 = arith.constant 0.000000e+00 : f32
      %broadcast_in_dim3A_237 = vector.broadcast %jit3A_236 : f32 to vector<16xf32>
      %select_n3A_238 = arith.select %lt3A_230, %gather3A_235, %broadcast_in_dim3A_237 : vector<16xi1>, vector<16xf32>
      %mul3A_239 = arith.constant 16 : i32
      %mul3A_240 = arith.muli %scan3A_225, %mul3A_239 : i32
      %swap3A_241 = arith.index_cast %mul3A_240 : i32 to index
      %swap3A_242 = tpu.vector_load %arg7[%swap3A_241] {strides = array<i32>} : memref<2048xf32, #tpu.memory_space<vmem>>, vector<16xf32>,
      tpu.vector_store %arg7[%swap3A_241], %select_n3A_238 {strides = array<i32>} : memref<2048xf32, #tpu.memory_space<vmem>>, vector<16xf32>,
      %scan3A_243 = arith.constant 0 : i32
      %scan3A_244 = arith.constant 6 : i32
      %scan3A_245 = arith.addi %scan3A_126, %scan3A_244 : i32
      %mul3A_246 = arith.constant 16 : i32
      %mul3A_247 = arith.muli %scan3A_245, %mul3A_246 : i32
      %add3A_248 = vector.broadcast %mul3A_247 : i32 to vector<16xi32>
      %add3A_249 = arith.addi %add3A_248, %iota3A : vector<16xi32>
      %lt3A_250 = arith.cmpi slt, %add3A_249, %broadcast_in_dim3A_38 : vector<16xi32>
      %add3A_251 = arith.addi %add3A_249, %broadcast_in_dim3A_37 : vector<16xi32>
      %min3A_252 = arith.constant 2063 : i32
      %min3A_253 = vector.broadcast %min3A_252 : i32 to vector<16xi32>
      %min3A_254 = arith.minsi %add3A_251, %min3A_253 : vector<16xi32>
      %gather3A_255 = tpu.vector_load_idx %arg6[%min3A_254] : memref<2064xf32, #tpu.memory_space<vmem>>[vector<16xi32>], vector<16xf32>,
      %jit3A_256 = arith.constant 0.000000e+00 : f32
      %broadcast_in_dim3A_257 = vector.broadcast %jit3A_256 : f32 to vector<16xf32>
      %select_n3A_258 = arith.select %lt3A_250, %gather3A_255, %broadcast_in_dim3A_257 : vector<16xi1>, vector<16xf32>
      %mul3A_259 = arith.constant 16 : i32
      %mul3A_260 = arith.muli %scan3A_245, %mul3A_259 : i32
      %swap3A_261 = arith.index_cast %mul3A_260 : i32 to index
      %swap3A_262 = tpu.vector_load %arg7[%swap3A_261] {strides = array<i32>} : memref<2048xf32, #tpu.memory_space<vmem>>, vector<16xf32>,
      tpu.vector_store %arg7[%swap3A_261], %select_n3A_258 {strides = array<i32>} : memref<2048xf32, #tpu.memory_space<vmem>>, vector<16xf32>,
      %scan3A_263 = arith.constant 0 : i32
      %scan3A_264 = arith.constant 7 : i32
      %scan3A_265 = arith.addi %scan3A_126, %scan3A_264 : i32
      %mul3A_266 = arith.constant 16 : i32
      %mul3A_267 = arith.muli %scan3A_265, %mul3A_266 : i32
      %add3A_268 = vector.broadcast %mul3A_267 : i32 to vector<16xi32>
      %add3A_269 = arith.addi %add3A_268, %iota3A : vector<16xi32>
      %lt3A_270 = arith.cmpi slt, %add3A_269, %broadcast_in_dim3A_38 : vector<16xi32>
      %add3A_271 = arith.addi %add3A_269, %broadcast_in_dim3A_37 : vector<16xi32>
      %min3A_272 = arith.constant 2063 : i32
      %min3A_273 = vector.broadcast %min3A_272 : i32 to vector<16xi32>
      %min3A_274 = arith.minsi %add3A_271, %min3A_273 : vector<16xi32>
      %gather3A_275 = tpu.vector_load_idx %arg6[%min3A_274] : memref<2064xf32, #tpu.memory_space<vmem>>[vector<16xi32>], vector<16xf32>,
      %jit3A_276 = arith.constant 0.000000e+00 : f32
      %broadcast_in_dim3A_277 = vector.broadcast %jit3A_276 : f32 to vector<16xf32>
      %select_n3A_278 = arith.select %lt3A_270, %gather3A_275, %broadcast_in_dim3A_277 : vector<16xi1>, vector<16xf32>
      %mul3A_279 = arith.constant 16 : i32
      %mul3A_280 = arith.muli %scan3A_265, %mul3A_279 : i32
      %swap3A_281 = arith.index_cast %mul3A_280 : i32 to index
      %swap3A_282 = tpu.vector_load %arg7[%swap3A_281] {strides = array<i32>} : memref<2048xf32, #tpu.memory_space<vmem>>, vector<16xf32>,
      tpu.vector_store %arg7[%swap3A_281], %select_n3A_278 {strides = array<i32>} : memref<2048xf32, #tpu.memory_space<vmem>>, vector<16xf32>,
      %scan3A_283 = arith.constant 0 : i32
      scf.yield %scan3A_283 : i32
    }
    %scan3A_94 = arith.constant 32 : i32
    %add3A_95 = arith.constant 1536 : i32
    %add3A_96 = arith.addi %multiple_of3A_44, %add3A_95 : i32
    %dma_start3A_97 = arith.constant 1536 : i32
    %dma_start3A_98 = tpu.memref_slice %arg7[%dma_start3A_97] : memref<2048xf32, #tpu.memory_space<vmem>> -> memref<512xf32, #tpu.memory_space<vmem>>
    %dma_start3A_99 = tpu.memref_slice %arg4[%add3A_96] : memref<65536xf32, #tpu.memory_space<hbm>> -> memref<512xf32, #tpu.memory_space<hbm>>
    %dma_start3A_100 = tpu.memref_slice %arg4[%add3A_96] : memref<65536xf32, #tpu.memory_space<hbm>> -> memref<512xf32, #tpu.memory_space<hbm>>
    %dma_start3A_101 = arith.constant 1536 : i32
    %dma_start3A_102 = tpu.memref_slice %arg7[%dma_start3A_101] : memref<2048xf32, #tpu.memory_space<vmem>> -> memref<512xf32, #tpu.memory_space<vmem>>
    tpu.enqueue_dma source(%dma_start3A_102 : memref<512xf32, #tpu.memory_space<vmem>>) target(%dma_start3A_100 : memref<512xf32, #tpu.memory_space<hbm>>) target_semaphore(%arg8 : memref<!tpu.dma_semaphore, #tpu.memory_space<semaphore_mem>>)
    %dma_wait3A = arith.constant 0 : i32
    %dma_wait3A_103 = tpu.memref_slice %arg7[%dma_wait3A] : memref<2048xf32, #tpu.memory_space<vmem>> -> memref<512xf32, #tpu.memory_space<vmem>>
    %dma_wait3A_104 = tpu.memref_slice %arg4[%add3A_52] : memref<65536xf32, #tpu.memory_space<hbm>> -> memref<512xf32, #tpu.memory_space<hbm>>
    %dma_wait3A_105 = tpu.memref_slice %arg4[%add3A_52] : memref<65536xf32, #tpu.memory_space<hbm>> -> memref<512xf32, #tpu.memory_space<hbm>>
    %dma_wait3A_106 = arith.constant 0 : i32
    %dma_wait3A_107 = tpu.memref_slice %arg7[%dma_wait3A_106] : memref<2048xf32, #tpu.memory_space<vmem>> -> memref<512xf32, #tpu.memory_space<vmem>>
    tpu.wait_dma2 semaphore(%arg8 : memref<!tpu.dma_semaphore, #tpu.memory_space<semaphore_mem>>) src(%dma_wait3A_107 : memref<512xf32, #tpu.memory_space<vmem>>) dst(%dma_wait3A_105 : memref<512xf32, #tpu.memory_space<hbm>>)
    %dma_wait3A_108 = arith.constant 512 : i32
    %dma_wait3A_109 = tpu.memref_slice %arg7[%dma_wait3A_108] : memref<2048xf32, #tpu.memory_space<vmem>> -> memref<512xf32, #tpu.memory_space<vmem>>
    %dma_wait3A_110 = tpu.memref_slice %arg4[%add3A_66] : memref<65536xf32, #tpu.memory_space<hbm>> -> memref<512xf32, #tpu.memory_space<hbm>>
    %dma_wait3A_111 = tpu.memref_slice %arg4[%add3A_66] : memref<65536xf32, #tpu.memory_space<hbm>> -> memref<512xf32, #tpu.memory_space<hbm>>
    %dma_wait3A_112 = arith.constant 512 : i32
    %dma_wait3A_113 = tpu.memref_slice %arg7[%dma_wait3A_112] : memref<2048xf32, #tpu.memory_space<vmem>> -> memref<512xf32, #tpu.memory_space<vmem>>
    tpu.wait_dma2 semaphore(%arg8 : memref<!tpu.dma_semaphore, #tpu.memory_space<semaphore_mem>>) src(%dma_wait3A_113 : memref<512xf32, #tpu.memory_space<vmem>>) dst(%dma_wait3A_111 : memref<512xf32, #tpu.memory_space<hbm>>)
    %dma_wait3A_114 = arith.constant 1024 : i32
    %dma_wait3A_115 = tpu.memref_slice %arg7[%dma_wait3A_114] : memref<2048xf32, #tpu.memory_space<vmem>> -> memref<512xf32, #tpu.memory_space<vmem>>
    %dma_wait3A_116 = tpu.memref_slice %arg4[%add3A_81] : memref<65536xf32, #tpu.memory_space<hbm>> -> memref<512xf32, #tpu.memory_space<hbm>>
    %dma_wait3A_117 = tpu.memref_slice %arg4[%add3A_81] : memref<65536xf32, #tpu.memory_space<hbm>> -> memref<512xf32, #tpu.memory_space<hbm>>
    %dma_wait3A_118 = arith.constant 1024 : i32
    %dma_wait3A_119 = tpu.memref_slice %arg7[%dma_wait3A_118] : memref<2048xf32, #tpu.memory_space<vmem>> -> memref<512xf32, #tpu.memory_space<vmem>>
    tpu.wait_dma2 semaphore(%arg8 : memref<!tpu.dma_semaphore, #tpu.memory_space<semaphore_mem>>) src(%dma_wait3A_119 : memref<512xf32, #tpu.memory_space<vmem>>) dst(%dma_wait3A_117 : memref<512xf32, #tpu.memory_space<hbm>>)
    %dma_wait3A_120 = arith.constant 1536 : i32
    %dma_wait3A_121 = tpu.memref_slice %arg7[%dma_wait3A_120] : memref<2048xf32, #tpu.memory_space<vmem>> -> memref<512xf32, #tpu.memory_space<vmem>>
    %dma_wait3A_122 = tpu.memref_slice %arg4[%add3A_96] : memref<65536xf32, #tpu.memory_space<hbm>> -> memref<512xf32, #tpu.memory_space<hbm>>
    %dma_wait3A_123 = tpu.memref_slice %arg4[%add3A_96] : memref<65536xf32, #tpu.memory_space<hbm>> -> memref<512xf32, #tpu.memory_space<hbm>>
    %dma_wait3A_124 = arith.constant 1536 : i32
    %dma_wait3A_125 = tpu.memref_slice %arg7[%dma_wait3A_124] : memref<2048xf32, #tpu.memory_space<vmem>> -> memref<512xf32, #tpu.memory_space<vmem>>
    tpu.wait_dma2 semaphore(%arg8 : memref<!tpu.dma_semaphore, #tpu.memory_space<semaphore_mem>>) src(%dma_wait3A_125 : memref<512xf32, #tpu.memory_space<vmem>>) dst(%dma_wait3A_123 : memref<512xf32, #tpu.memory_space<hbm>>)
    return
  }
}

</mosaic_0001>

<sc_bundles>
// kernel: kernel.3.cloned.1.call-start
scs
__scs_entry_jumppad:
0x0: {  	(pc) =	sbr.rel $0x88, $3  }
0x1: {  	(tag) =	ssettag $0x0;
	lr =	simm.s32 $0x1  }
0x2: {  	[smem:$0x3F9F] =	sst lr;
	_ =	strace $0xD0000000  }
0x3: {  	_ = 	snop  }
0x4: {  	_ = 	snop  }
0x5: {  	_ = 	snop  }
0x6: {  	_ = 	snop  }
0x7: {  	_ = 	snop  }
__scs_overlays_trampoline_lowered:
0x8: {  	[smem:$0x3FAE] =	sst s0  }
0x9: {  	[smem:$0x3FAF] =	sst s1  }
0xa: {  	[smem:$0x3FB0] =	sst s2  }
0xb: {  	[smem:$0x3FB1] =	sst s3  }
0xc: {  	[smem:$0x3FB2] =	sst s4  }
0xd: {  	[smem:$0x3FB3] =	sst s5  }
0xe: {  	[smem:$0x3FB4] =	sst s6  }
0xf: {  	[smem:$0x3FB5] =	sst s7  }
0x10: {  	[smem:$0x3FB6] =	sst s8  }
0x11: {  	[smem:$0x3FB7] =	sst s9;
	s0 =	simm.s32 @!p0 $0x0  }
0x12: {  	s1 =	sld [smem:$0x3F9D];
	s0 =	simm.s32 @p0 $0x1  }
0x13: {  	[smem:$0x3FB8] =	sst s0;
	s0 =	simm.s32 @!p1 $0x0  }
0x14: {  	s2 =	sld [smem:$0x3F9C];
	s0 =	simm.s32 @p1 $0x1  }
0x15: {  	[smem:$0x3FB9] =	sst s0;
	s0 =	simm.s32 @!p2 $0x0  }
0x16: {  	s3 =	sld [smem:$0x3FDB];
	s0 =	simm.s32 @p2 $0x1  }
0x17: {  	s4 =	simm.s32 $0x1BF5;
	[smem:$0x3FBB] =	sst s0  }
0x18: {  	s0 =	sld [smem:$0x3F9E];
	_ =	swait.ge [sflag:s4], $0x0  }
0x19: {  	s7 =	sld [smem:$0x3F9F]  }
0x1a: {  	s8 =	sadd.s32 $0xFFFFE003, lr  }
0x1b: {  	s9 =	sadd.s32 $0xFFFFFEF7, lr;
	s5 =	simm.s32 $0xFFFFFFFF;
	p2 =	slt.u32 s8, $0xFFFFF086  }
0x1c: {  	p1 =	slt.u32 s9, $0xF7A;
	s5 =	simm.s32 @!p2 $0x0  }
0x1d: {  	s5 =	simm.s32 @p1 $0x1;
	p0 =	seq.s32 s7, s2  }
0x1e: {  	s7 =	smul.u32 @!p0 $0xF7A, s2;
	p2 =	seq.s32 @!p0 s5, $0x0  }
0x1f: {  	s9 =	smul.u32 $0xF7A, s1;
	s8 =	simm.s32 @!p0 $0x1BF5;
	p2 =	por !p2, p0  }
0x20: {  	[sflag:s8] =	ssyncset.s32 @!p0 $0xFFFFF086;
	s6 =	sadd.s32 @!p0 s3, s7;
	s7 =	simm.s32 @!p0 $0x108  }
0x21: {  	s3 =	sadd.s32 s3, s9;
	s6 =	sadd.s32 @!p0 $0x88, s6;
	s7 =	simm.s32 @p2 $0x1082  }
0x22: {  	[simem:s7], [sflag:s8] =	dma.local @!p0 [hbm:s6], $0xF7A  }
0x23: {  	s9 =	sor.u32 $0xD0000000, s2;
	s6 =	simm.s32 $0x108;
	_ =	swait.ge @!p0 [sflag:s8], $0x0  }
0x24: {  	s3 =	sadd.s32 $0x88, s3;
	s6 =	simm.s32 @!p1 $0x1082;
	[sflag:s4] =	ssyncset.s32 $0xFFFFF086  }
0x25: {  	[simem:s6], [sflag:s4] =	dma.local [hbm:s3], $0xF7A  }
0x26: {  	[smem:$0x3F9F] =	sst s1;
	(tag) =	ssettag s2;
	_ =	strace s9  }
0x27: {  	s1 =	sld [smem:$0x3FAF]  }
0x28: {  	s2 =	sld [smem:$0x3FB0]  }
0x29: {  	s4 =	sld [smem:$0x3FB2]  }
0x2a: {  	p0 =	seq.s32 s5, $0x0;
	s5 =	sld [smem:$0x3FB3]  }
0x2b: {  	s6 =	sld [smem:$0x3FB4]  }
0x2c: {  	s7 =	sld [smem:$0x3FB5]  }
0x2d: {  	s3 =	simm.s32 $0x108;
	s8 =	sld [smem:$0x3FB6]  }
0x2e: {  	s3 =	simm.s32 @!p0 $0x1082;
	s9 =	sld [smem:$0x3FB7]  }
0x2f: {  	lr =	sadd.s32 s0, s3;
	s0 =	sld [smem:$0x3FAE]  }
0x30: {  	s3 =	sld [smem:$0x3FB1]  }
0x31: {  	[smem:$0x3FBA] =	sst s10  }
0x32: {  	s10 =	sld [smem:$0x3FB8];
	_ =	sdelay $0x3  }
0x33: {  	p0 =	seq.s32 s10, $0x1;
	s10 =	sld [smem:$0x3FBA];
	_ =	sdelay $0x3  }
0x34: {  	[smem:$0x3FBA] =	sst s10  }
0x35: {  	s10 =	sld [smem:$0x3FB9];
	_ =	sdelay $0x3  }
0x36: {  	p1 =	seq.s32 s10, $0x1;
	s10 =	sld [smem:$0x3FBA];
	_ =	sdelay $0x3  }
0x37: {  	[smem:$0x3FBA] =	sst s10  }
0x38: {  	s10 =	sld [smem:$0x3FBB]  }
0x39: {  	_ = 	snop;
	(pc) =	sbr.ind lr, $3  }
0x3a: {  	_ = 	snop  }
0x3b: {  	_ = 	snop  }
0x3c: {  	p2 =	seq.s32 s10, $0x1;
	s10 =	sld [smem:$0x3FBA]  }
0x3d: {  	_ =	shalt  }
0x3e: {  	_ =	shalt  }
0x3f: {  	_ =	shalt  }
0x40: {  	_ =	shalt  }
0x41: {  	_ =	shalt  }
0x42: {  	_ =	shalt  }
0x43: {  	_ =	shalt  }
0x44: {  	_ =	shalt  }
0x45: {  	_ =	shalt  }
0x46: {  	_ =	shalt  }
0x47: {  	_ =	shalt  }
0x48: {  	_ =	shalt  }
0x49: {  	_ =	shalt  }
0x4a: {  	_ =	shalt  }
0x4b: {  	_ =	shalt  }
0x4c: {  	_ =	shalt  }
0x4d: {  	_ =	shalt  }
0x4e: {  	_ =	shalt  }
0x4f: {  	_ =	shalt  }
0x50: {  	_ =	shalt  }
0x51: {  	_ =	shalt  }
0x52: {  	_ =	shalt  }
0x53: {  	_ =	shalt  }
0x54: {  	_ =	shalt  }
0x55: {  	_ =	shalt  }
0x56: {  	_ =	shalt  }
0x57: {  	_ =	shalt  }
0x58: {  	_ =	shalt  }
0x59: {  	_ =	shalt  }
0x5a: {  	_ =	shalt  }
0x5b: {  	_ =	shalt  }
0x5c: {  	_ =	shalt  }
0x5d: {  	_ =	shalt  }
0x5e: {  	_ =	shalt  }
0x5f: {  	_ =	shalt  }
0x60: {  	_ =	shalt  }
0x61: {  	_ =	shalt  }
0x62: {  	_ =	shalt  }
0x63: {  	_ =	shalt  }
0x64: {  	_ =	shalt  }
0x65: {  	_ =	shalt  }
0x66: {  	_ =	shalt  }
0x67: {  	_ =	shalt  }
0x68: {  	_ =	shalt  }
0x69: {  	_ =	shalt  }
0x6a: {  	_ =	shalt  }
0x6b: {  	_ =	shalt  }
0x6c: {  	_ =	shalt  }
0x6d: {  	_ =	shalt  }
0x6e: {  	_ =	shalt  }
0x6f: {  	_ =	shalt  }
0x70: {  	_ =	shalt  }
0x71: {  	_ =	shalt  }
0x72: {  	_ =	shalt  }
0x73: {  	_ =	shalt  }
0x74: {  	_ =	shalt  }
0x75: {  	_ =	shalt  }
0x76: {  	_ =	shalt  }
0x77: {  	_ =	shalt  }
0x78: {  	_ =	shalt  }
0x79: {  	_ =	shalt  }
0x7a: {  	_ =	shalt  }
0x7b: {  	_ =	shalt  }
0x7c: {  	_ =	shalt  }
0x7d: {  	_ =	shalt  }
0x7e: {  	_ =	shalt  }
0x7f: {  	_ =	shalt  }
0x80: {  	_ =	shalt  }
0x81: {  	_ =	shalt  }
0x82: {  	_ =	shalt  }
0x83: {  	_ =	shalt  }
0x84: {  	_ =	shalt  }
0x85: {  	_ =	shalt  }
0x86: {  	_ =	shalt  }
0x87: {  	_ =	shalt  }
.Lfunc_end0:
.L_simem_size_0:
called_computation_lowered:
.L_overlay_start_0:
0x88: {  	s2 =	sld [smem:$0x3FD9]  }
0x89: {  	s3 =	sld [smem:$0x3FFE];
	_ =	sdelay $0x1  }
0x8a: {  	s1 =	srdreg.scid  }
0x8b: {  	s0 =	sand.u32 $0x1, s1  }
0x8c: {  	s17 =	sshll.u32 s0, $0xA;
	s2 =	sadd.s32 s3, s2  }
0x8d: {  	s2 =	sadd.s32 s2, s17  }
0x8e: {  	[smem:$0x3FC6] =	sst s2  }
0x8f: {  	_ = 	snop  }
0x90: {  	s2 =	sld [smem:$0x3FC9]  }
0x91: {  	s18 =	sld [smem:$0x3FC8];
	(tm) =	ssettm $0x1  }
0x92: {  	s4 =	sld [smem:$0x3FFB];
	_ =	sdelay $0x3  }
0x93: {  	_ =	strace s4  }
0x94: {  	s4 =	sld [smem:$0x3FFC];
	_ =	sdelay $0x3  }
0x95: {  	_ =	strace s4  }
0x96: {  	s4 =	sld [smem:$0x3FFD];
	_ =	sdelay $0x3  }
0x97: {  	_ =	strace s4  }
0x98: {  	_ =	strace $0x8FFFFFFF  }
0x99: {  	s19 =	sld [smem:$0x3FDB];
	_ =	sdelay $0x1  }
0x9a: {  	s5 =	simm.s32 $_scs_section_size  }
0x9b: {  	s6 =	simm.s32 $_size__tile_overlayer_lowered;
	s7 =	simm.s32 $_tile_overlayer_lowered  }
0x9c: {  	s22 =	simm.s32 $0x1BFF;
	s21 =	sshll.u32 s7, $0x1;
	s4 =	sadd.s32 s5, s19  }
0x9d: {  	s8 =	simm.s32 $0x0;
	s20 =	sshll.u32 s6, $0x1;
	s6 =	sadd.s32 s21, s4  }
0x9e: {  	[timem:s8], [sflag:s22] =	dma.local [hbm:s6], s20  }
0x9f: {  	_ =	swait.ge [sflag:s22], s20  }
0xa0: {  	s5 =	ssub.s32 $0x0, s20;
	[sflag:s22] =	ssyncset.done $0x0  }
0xa1: {  	[sflag:s22] =	ssyncadd.s32 s5;
	_ =	sdelay $0x1  }
0xa2: {  	s23 =	simm.s32 $0x1B8B  }
0xa3: {  	_ =	swait.ge [sflag:s23], $0x1  }
0xa4: {  	[sflag:s23] =	ssyncset.done $0x0  }
0xa5: {  	s25 =	simm.s32 $0x1B8E;
	s24 =	sld [smem:$0x3FFE];
	[sflag:s23] =	ssyncadd.s32 $0xFFFFFFFF  }
0xa6: {  	s26 =	simm.s32 $execute0_lowered;
	[smem:$0x3FD2] =	sst s25  }
0xa7: {  	s6 =	sshll.u32 s26, $0x1;
	_ =	strace $0x80000046;
	[dreg:$0x1] =	wrdreg $0xFFFFFFFF  }
0xa8: {  	s28 =	simm.s32 $_size_execute0_lowered;
	s4 =	sadd.s32 s4, s6;
	[dreg:$0x0] =	wrdreg $0x0  }
0xa9: {  	s6 =	sshll.u32 s28, $0x1;
	[dreg:$0x2] =	wrdreg s4  }
0xaa: {  	[dreg:$0x3] =	wrdreg s6  }
0xab: {  	[dreg:$0x4] =	wrdreg $0xC0  }
0xac: {  	_ =	task [dreg:s8], $0x5FFFF  }
0xad: {  	[dreg:$0x1] =	wrdreg $0xFFFFFFFF  }
0xae: {  	[dreg:$0x0] =	wrdreg $0x60  }
0xaf: {  	[dreg:$0x2] =	wrdreg s2  }
0xb0: {  	[dreg:$0x3] =	wrdreg s18  }
0xb1: {  	[dreg:$0x4] =	wrdreg s24  }
0xb2: {  	[dreg:$0x5] =	wrdreg $0x9  }
0xb3: {  	_ =	task.clear_ibuf [dreg:s8], $0x6FFFF;
	_ =	strace $0x90000046  }
0xb4: {  	s29 =	simm.s32 $0x9;
	_ =	strace $0x80000048  }
0xb5: {  	_ =	swait.ge [sflag:s29], $0x1  }
0xb6: {  	[sflag:s29] =	ssyncadd.s32 $0xFFFFFFFF  }
0xb7: {  	_ =	strace $0x90000048  }
0xb8: {  	_ =	sfence  }
0xb9: {  	s30 =	sld [smem:$0x0];
	_ =	sdelay $0x2  }
0xba: {  	s31 =	sshll.u32 s1, $0xD;
	s1 =	sshrl.u32 s1, $0x2  }
0xbb: {  	s3 =	sand.u32 $0x4000, s31;
	s1 =	sadd.s32 s1, s30  }
0xbc: {  	s0 =	sor.u32 s3, s0;
	s1 =	sshll.u32 s1, $0x11  }
0xbd: {  	s0 =	sor.u32 s1, s0  }
0xbe: {  	s0 =	sadd.s32 $0x8F2B, s0  }
0xbf: {  	[sflag:s0] =	ssyncadd.remote.s32 $0x1  }
0xc0: {  	_ =	sfence.sel $0xFFFF  }
0xc1: {  	[dreg:$0x0] =	wrdreg $0xFFFFFFFF;
	(pc) =	sbr.abs _section_cstart, $3  }
0xc2: {  	[dreg:$0x1] =	wrdreg $0xFFFFFFFF  }
0xc3: {  	_ =	task.clear_ibuf [dreg:s8], $0x2FFFF;
	_ =	strace $0x9FFFFFFF  }
0xc4: {  	(tm) =	ssettm $0x7FFFFFFF  }
0xc5: {  	_ =	shalt  }
tec
execute0_lowered:
.L_overlay_start_1:
0x0: {  	(tag) =	ssettag $0x1  }
0x1: {  	s1 =	rddreg [dreg:$0x0]  }
0x2: {  	s2 =	srdreg.scid;
	s3 =	rddreg [dreg:$0x1]  }
0x3: {  	s0 =	stileid.u32;
	s7 =	rddreg [dreg:$0x2]  }
0x4: {  	s5 =	simm.s32 $0x0;
	s11 =	simm.s32 $0x2;
	s12 =	simm.s32 $0x1  }
0x5: {  	s13 =	simm.s32 $0x80;
	s14 =	simm.s32 $0x900;
	s15 =	simm.s32 $0xB00  }
0x6: {  	s16 =	simm.s32 $0xD00;
	s17 =	simm.s32 $0xF00;
	s6 =	sand.u32 $0x1, s2  }
0x7: {  	s18 =	simm.s32 $0x0;
	s8 =	sshll.u32 s0, $0xC;
	s4 =	sshll.u32 s6, $0xB  }
0x8: {  	s2 =	rddreg [dreg:$0x3];
	s6 =	ssub.s32 $0x2, s6;
	s8 =	sor.u32 s4, s8  }
0x9: {  	v0 =	vimm.s32 $0x1;
	vm0 =	vcmask $0x300;
	[smem:$0x7FF] =	sst s5;
	s31 =	sshrl.u32 s6, $0x1;
	s8 =	sshrl.u32 s8, $0x3  }
0xa: {  	v0 =	vsel vm0, $0x0, v0;
	p0 =	seq.s32 s0, $0xF;
	s10 =	ssub.s32 s6, s31;
	s9 =	sadd.s32 s8, s7  }
0xb: {  	_ =	strace $0x80000047;
	v0 =	vadd.s32 s0, v0;
	s10 =	smax.u32 s10, $0x1;
	s6 =	sadd.s32 $0x400, s9  }
0xc: {  	v1 =	vlaneseq.u32;
	v0 =	vmin.u32 v0, $0xF;
	s7 =	sadd.s32 $0x440, s9;
	s8 =	sadd.s32 $0x480, s9;
	s9 =	sadd.s32 $0x4C0, s9  }
.LBB2_1:
0xd: {  	[tilespmem:s5], [sflag:$0x2] =	stream.linear.gather [hbm4b:s3+s5], $0x10, $0x38;
	[tilespmem:$0x1100] =	vst v63  }
0xe: {  	_ =	swait.ge [sflag:s11], $0x10  }
0xf: {  	[sflag:s11] =	ssyncset.done $0x0  }
0x10: {  	[sflag:s11] =	ssyncadd.s32 $0xFFFFFFF0  }
0x11: {  	v2 =	vld.idx.msk [tilespmem:v0+s5+$0x0], $0xffff;
	_ =	sdelay $0x4  }
0x12: {  	(v2sf) =	vpush v2, $0x0;
	_ =	sdelay $0xd  }
0x13: {  	(v2sf) =	vpush v2, $0x1  }
0x14: {  	s19 =	spop (v2sf)  }
0x15: {  	s20 =	sadd.s32 s4, s19;
	s19 =	sand.u32 $0x7, s19  }
0x16: {  	s21 =	sshra.s32 s20, $0x1F;
	p1 =	slt.s32 s20, $0x1;
	p2 =	sne.s32 s19, $0x0  }
0x17: {  	s30 =	sshrl.u32 s21, $0x1D;
	p1 =	por !p1, !p2  }
0x18: {  	s21 =	simm.s32 $0x1;
	s19 =	sadd.s32 s30, s20;
	p1 =	por !p1, !p1  }
0x19: {  	s19 =	sshrl.u32 s19, $0x3;
	s21 =	simm.s32 @!p1 $0x0  }
0x1a: {  	s19 =	ssub.s32 s19, s21  }
0x1b: {  	s19 =	sshll.u32 s19, $0x3  }
0x1c: {  	p1 =	slt.s32 s19, $0x77F0  }
0x1d: {  	s19 =	simm.s32 @!p1 $0x77F0  }
0x1e: {  	s22 =	simm.s32 $0x0;
	s31 =	ssub.s32 s20, s19  }
0x1f: {  	v4 =	vor.u32 s22, v1;
	v2 =	vmov s31  }
0x20: {  	v3 =	vadd.s32 v2, v4  }
0x21: {  	s19 =	sshrl.u32 s19, $0x3;
	vm0 =	vlt.s32 v3, $0x80F  }
0x22: {  	s21 =	spop (v2sf);
	s19 =	sadd.s32 s1, s19;
	v3 =	vnsel vm0, $0x80F, v3  }
0x23: {  	[tilespmem:s13], [sflag:$0x2] =	stream.linear.gather [hbm4b:s19+s5], $0x810, $0x38;
	[tilespmem:$0x1100] =	vst v63  }
0x24: {  	_ =	swait.ge [sflag:s11], $0x810  }
0x25: {  	s23 =	simm.s32 $0x10;
	s21 =	simm.s32 @p0 $0x8000;
	[sflag:s11] =	ssyncset.done $0x0  }
0x26: {  	v5 =	vor.u32 s23, v1;
	s20 =	ssub.s32 s21, s20;
	[sflag:s11] =	ssyncadd.s32 $0xFFFFF7F0  }
0x27: {  	p1 =	sgt.s32 s20, $0x0;
	v6 =	vld.idx.msk [tilespmem:v3+s13+$0x0], $0xffff;
	v3 =	vadd.s32 v2, v5  }
0x28: {  	s20 =	simm.s32 @!p1 $0x0;
	vm15 =	vlt.s32 v3, $0x80F  }
0x29: {  	s24 =	smin.u32 s20, $0x800;
	v7 =	vnsel vm15, $0x80F, v3  }
0x2a: {  	v3 =	vmov s24  }
0x2b: {  	vm4 =	vlt.u32 v4, v3  }
0x2c: {  	s25 =	simm.s32 $0x20;
	s19 =	simm.s32 $0x940;
	v4 =	vnsel vm4, $0x0, v6  }
0x2d: {  	[tilespmem:s19+$0xFFFFFFC0] =	vst v4;
	v4 =	vor.u32 s25, v1  }
0x2e: {  	v6 =	vld.idx.msk [tilespmem:v7+s13+$0x0], $0xffff;
	v7 =	vadd.s32 v2, v4  }
0x2f: {  	vm5 =	vlt.s32 v7, $0x80F  }
0x30: {  	v7 =	vnsel vm5, $0x80F, v7;
	_ =	sdelay $0x1  }
0x31: {  	vm6 =	vlt.u32 v5, v3  }
0x32: {  	s26 =	simm.s32 $0x30;
	v5 =	vnsel vm6, $0x0, v6  }
0x33: {  	[tilespmem:s19+$0xFFFFFFD0] =	vst v5;
	v5 =	vor.u32 s26, v1  }
0x34: {  	v6 =	vld.idx.msk [tilespmem:v7+s13+$0x0], $0xffff;
	v7 =	vadd.s32 v2, v5  }
0x35: {  	vm7 =	vlt.s32 v7, $0x80F  }
0x36: {  	v7 =	vnsel vm7, $0x80F, v7;
	_ =	sdelay $0x1  }
0x37: {  	vm8 =	vlt.u32 v4, v3  }
0x38: {  	s28 =	simm.s32 $0x40;
	v4 =	vnsel vm8, $0x0, v6  }
0x39: {  	[tilespmem:s19+$0xFFFFFFE0] =	vst v4;
	v4 =	vor.u32 s28, v1  }
0x3a: {  	v6 =	vld.idx.msk [tilespmem:v7+s13+$0x0], $0xffff;
	v7 =	vadd.s32 v2, v4  }
0x3b: {  	vm9 =	vlt.s32 v7, $0x80F  }
0x3c: {  	v7 =	vnsel vm9, $0x80F, v7;
	_ =	sdelay $0x1  }
0x3d: {  	vm10 =	vlt.u32 v5, v3  }
0x3e: {  	s29 =	simm.s32 $0x50;
	v5 =	vnsel vm10, $0x0, v6  }
0x3f: {  	[tilespmem:s19+$0xFFFFFFF0] =	vst v5;
	v5 =	vor.u32 s29, v1  }
0x40: {  	v6 =	vld.idx.msk [tilespmem:v7+s13+$0x0], $0xffff;
	v7 =	vadd.s32 v2, v5  }
0x41: {  	vm11 =	vlt.s32 v7, $0x80F  }
0x42: {  	v7 =	vnsel vm11, $0x80F, v7;
	_ =	sdelay $0x1  }
0x43: {  	vm12 =	vlt.u32 v4, v3  }
0x44: {  	s30 =	simm.s32 $0x60;
	v4 =	vnsel vm12, $0x0, v6  }
0x45: {  	v6 =	vor.u32 s30, v1;
	[tilespmem:s19+$0x0] =	vst v4  }
0x46: {  	v4 =	vld.idx.msk [tilespmem:v7+s13+$0x0], $0xffff;
	v7 =	vadd.s32 v2, v6  }
0x47: {  	vm13 =	vlt.s32 v7, $0x80F  }
0x48: {  	v7 =	vnsel vm13, $0x80F, v7;
	_ =	sdelay $0x1  }
0x49: {  	vm14 =	vlt.u32 v5, v3  }
0x4a: {  	s31 =	simm.s32 $0x70;
	v4 =	vnsel vm14, $0x0, v4  }
0x4b: {  	[tilespmem:s19+$0x10] =	vst v4;
	v4 =	vor.u32 s31, v1  }
0x4c: {  	v7 =	vld.idx.msk [tilespmem:v7+s13+$0x0], $0xffff;
	v5 =	vadd.s32 v2, v4  }
0x4d: {  	vm15 =	vlt.s32 v5, $0x80F  }
0x4e: {  	v5 =	vnsel vm15, $0x80F, v5;
	_ =	sdelay $0x1  }
0x4f: {  	vm1 =	vlt.u32 v6, v3  }
0x50: {  	s21 =	simm.s32 $0xF0;
	s20 =	simm.s32 $0x0;
	v6 =	vnsel vm1, $0x0, v7  }
.LBB2_2:
0x51: {  	s22 =	sadd.s32 $0xFFFFFF90, s21;
	s20 =	sadd.s32 $0x8, s20;
	[tilespmem:s19+$0x20] =	vst v6  }
0x52: {  	v6 =	vor.u32 s22, v1;
	p1 =	slt.u32 s20, $0x18;
	v5 =	vld.idx.msk [tilespmem:v5+s13+$0x0], $0xffff  }
0x53: {  	v7 =	vadd.s32 v2, v6  }
0x54: {  	vm0 =	vlt.s32 v7, $0x80F  }
0x55: {  	v7 =	vnsel vm0, $0x80F, v7;
	_ =	sdelay $0x1  }
0x56: {  	vm0 =	vlt.u32 v4, v3  }
0x57: {  	v4 =	vnsel vm0, $0x0, v5  }
0x58: {  	s22 =	sadd.s32 $0xFFFFFFA0, s21;
	[tilespmem:s19+$0x30] =	vst v4  }
0x59: {  	v5 =	vor.u32 s22, v1;
	v4 =	vld.idx.msk [tilespmem:v7+s13+$0x0], $0xffff  }
0x5a: {  	v7 =	vadd.s32 v2, v5  }
0x5b: {  	vm0 =	vlt.s32 v7, $0x80F  }
0x5c: {  	v7 =	vnsel vm0, $0x80F, v7;
	_ =	sdelay $0x1  }
0x5d: {  	vm0 =	vlt.u32 v6, v3  }
0x5e: {  	s19 =	sadd.s32 $0x80, s19;
	v4 =	vnsel vm0, $0x0, v4  }
0x5f: {  	s22 =	sadd.s32 $0xFFFFFFB0, s21;
	[tilespmem:s19+$0xFFFFFFC0] =	vst v4  }
0x60: {  	v6 =	vor.u32 s22, v1;
	v4 =	vld.idx.msk [tilespmem:v7+s13+$0x0], $0xffff  }
0x61: {  	v7 =	vadd.s32 v2, v6  }
0x62: {  	vm0 =	vlt.s32 v7, $0x80F  }
0x63: {  	v7 =	vnsel vm0, $0x80F, v7;
	_ =	sdelay $0x1  }
0x64: {  	vm0 =	vlt.u32 v5, v3  }
0x65: {  	v4 =	vnsel vm0, $0x0, v4  }
0x66: {  	s22 =	sadd.s32 $0xFFFFFFC0, s21;
	[tilespmem:s19+$0xFFFFFFD0] =	vst v4  }
0x67: {  	v5 =	vor.u32 s22, v1;
	v4 =	vld.idx.msk [tilespmem:v7+s13+$0x0], $0xffff  }
0x68: {  	v7 =	vadd.s32 v2, v5  }
0x69: {  	vm0 =	vlt.s32 v7, $0x80F  }
0x6a: {  	v7 =	vnsel vm0, $0x80F, v7;
	_ =	sdelay $0x1  }
0x6b: {  	vm0 =	vlt.u32 v6, v3  }
0x6c: {  	v4 =	vnsel vm0, $0x0, v4  }
0x6d: {  	s22 =	sadd.s32 $0xFFFFFFD0, s21;
	[tilespmem:s19+$0xFFFFFFE0] =	vst v4  }
0x6e: {  	v6 =	vor.u32 s22, v1;
	v4 =	vld.idx.msk [tilespmem:v7+s13+$0x0], $0xffff  }
0x6f: {  	v7 =	vadd.s32 v2, v6  }
0x70: {  	vm0 =	vlt.s32 v7, $0x80F  }
0x71: {  	v7 =	vnsel vm0, $0x80F, v7;
	_ =	sdelay $0x1  }
0x72: {  	vm0 =	vlt.u32 v5, v3  }
0x73: {  	v4 =	vnsel vm0, $0x0, v4  }
0x74: {  	s22 =	sadd.s32 $0xFFFFFFE0, s21;
	[tilespmem:s19+$0xFFFFFFF0] =	vst v4  }
0x75: {  	v5 =	vor.u32 s22, v1;
	v4 =	vld.idx.msk [tilespmem:v7+s13+$0x0], $0xffff  }
0x76: {  	v7 =	vadd.s32 v2, v5  }
0x77: {  	vm0 =	vlt.s32 v7, $0x80F  }
0x78: {  	v7 =	vnsel vm0, $0x80F, v7;
	_ =	sdelay $0x1  }
0x79: {  	vm0 =	vlt.u32 v6, v3  }
0x7a: {  	v4 =	vnsel vm0, $0x0, v4  }
0x7b: {  	s22 =	sadd.s32 $0xFFFFFFF0, s21;
	[tilespmem:s19+$0x0] =	vst v4  }
0x7c: {  	v6 =	vor.u32 s22, v1;
	v4 =	vld.idx.msk [tilespmem:v7+s13+$0x0], $0xffff  }
0x7d: {  	v7 =	vadd.s32 v2, v6  }
0x7e: {  	vm0 =	vlt.s32 v7, $0x80F  }
0x7f: {  	v7 =	vnsel vm0, $0x80F, v7;
	_ =	sdelay $0x1  }
0x80: {  	vm0 =	vlt.u32 v5, v3  }
0x81: {  	v4 =	vnsel vm0, $0x0, v4  }
0x82: {  	[tilespmem:s19+$0x10] =	vst v4  }
0x83: {  	v4 =	vor.u32 s21, v1;
	v7 =	vld.idx.msk [tilespmem:v7+s13+$0x0], $0xffff  }
0x84: {  	v5 =	vadd.s32 v2, v4  }
.Ltmp0:
0x85: {  	vm0 =	vlt.s32 v5, $0x80F;
	(pc) =	sbr.rel @p1 .LBB2_2-.Ltmp0, $3  }
0x86: {  	v5 =	vnsel vm0, $0x80F, v5;
	_ =	sdelay $0x1  }
0x87: {  	vm0 =	vlt.u32 v6, v3  }
0x88: {  	s21 =	sadd.s32 $0x80, s21;
	v6 =	vnsel vm0, $0x0, v7  }
0x89: {  	_ =	sdelay $0x2  }
0x8a: {  	[tilespmem:s19+$0x20] =	vst v6;
	s20 =	simm.s32 $0x200  }
0x8b: {  	v5 =	vld.idx.msk [tilespmem:v5+s13+$0x0], $0xffff;
	v6 =	vor.u32 s20, v1  }
0x8c: {  	v7 =	vadd.s32 v2, v6  }
0x8d: {  	vm0 =	vlt.s32 v7, $0x80F  }
0x8e: {  	v7 =	vnsel vm0, $0x80F, v7  }
0x8f: {  	vm14 =	vlt.u32 v4, v3  }
0x90: {  	v4 =	vnsel vm14, $0x0, v5  }
0x91: {  	s24 =	simm.s32 $0x210;
	[tilespmem:s19+$0x30] =	vst v4  }
0x92: {  	v4 =	vor.u32 s24, v1;
	[hbm4b:s6+s5] =	stream.linear.scatter [tilespmem:s14], [sflag:$0x1], $0x200, $0x38;
	[tilespmem:$0x1100] =	vst v63  }
0x93: {  	v5 =	vld.idx.msk [tilespmem:v7+s13+$0x0], $0xffff;
	v7 =	vadd.s32 v2, v4  }
0x94: {  	vm15 =	vlt.s32 v7, $0x80F  }
0x95: {  	v7 =	vnsel vm15, $0x80F, v7;
	_ =	sdelay $0x1  }
0x96: {  	vm4 =	vlt.u32 v6, v3  }
0x97: {  	s25 =	simm.s32 $0x220;
	s19 =	simm.s32 $0xB70;
	v5 =	vnsel vm4, $0x0, v5  }
0x98: {  	[tilespmem:s19+$0xFFFFFF90] =	vst v5;
	v5 =	vor.u32 s25, v1  }
0x99: {  	v6 =	vld.idx.msk [tilespmem:v7+s13+$0x0], $0xffff;
	v7 =	vadd.s32 v2, v5  }
0x9a: {  	vm5 =	vlt.s32 v7, $0x80F  }
0x9b: {  	v7 =	vnsel vm5, $0x80F, v7;
	_ =	sdelay $0x1  }
0x9c: {  	vm6 =	vlt.u32 v4, v3  }
0x9d: {  	s26 =	simm.s32 $0x230;
	v4 =	vnsel vm6, $0x0, v6  }
0x9e: {  	[tilespmem:s19+$0xFFFFFFA0] =	vst v4;
	v4 =	vor.u32 s26, v1  }
0x9f: {  	v6 =	vld.idx.msk [tilespmem:v7+s13+$0x0], $0xffff;
	v7 =	vadd.s32 v2, v4  }
0xa0: {  	vm7 =	vlt.s32 v7, $0x80F  }
0xa1: {  	v7 =	vnsel vm7, $0x80F, v7;
	_ =	sdelay $0x1  }
0xa2: {  	vm8 =	vlt.u32 v5, v3  }
0xa3: {  	s28 =	simm.s32 $0x240;
	v5 =	vnsel vm8, $0x0, v6  }
0xa4: {  	[tilespmem:s19+$0xFFFFFFB0] =	vst v5;
	v5 =	vor.u32 s28, v1  }
0xa5: {  	v6 =	vld.idx.msk [tilespmem:v7+s13+$0x0], $0xffff;
	v7 =	vadd.s32 v2, v5  }
0xa6: {  	vm9 =	vlt.s32 v7, $0x80F  }
0xa7: {  	v7 =	vnsel vm9, $0x80F, v7;
	_ =	sdelay $0x1  }
0xa8: {  	vm10 =	vlt.u32 v4, v3  }
0xa9: {  	s29 =	simm.s32 $0x250;
	v4 =	vnsel vm10, $0x0, v6  }
0xaa: {  	[tilespmem:s19+$0xFFFFFFC0] =	vst v4;
	v4 =	vor.u32 s29, v1  }
0xab: {  	v6 =	vld.idx.msk [tilespmem:v7+s13+$0x0], $0xffff;
	v7 =	vadd.s32 v2, v4  }
0xac: {  	vm11 =	vlt.s32 v7, $0x80F  }
0xad: {  	v7 =	vnsel vm11, $0x80F, v7;
	_ =	sdelay $0x1  }
0xae: {  	vm12 =	vlt.u32 v5, v3  }
0xaf: {  	s30 =	simm.s32 $0x260;
	v5 =	vnsel vm12, $0x0, v6  }
0xb0: {  	[tilespmem:s19+$0xFFFFFFD0] =	vst v5;
	v5 =	vor.u32 s30, v1  }
0xb1: {  	v6 =	vld.idx.msk [tilespmem:v7+s13+$0x0], $0xffff;
	v7 =	vadd.s32 v2, v5  }
0xb2: {  	vm13 =	vlt.s32 v7, $0x80F  }
0xb3: {  	v7 =	vnsel vm13, $0x80F, v7;
	_ =	sdelay $0x1  }
0xb4: {  	vm14 =	vlt.u32 v4, v3  }
0xb5: {  	s31 =	simm.s32 $0x270;
	v4 =	vnsel vm14, $0x0, v6  }
0xb6: {  	[tilespmem:s19+$0xFFFFFFE0] =	vst v4;
	v4 =	vor.u32 s31, v1  }
0xb7: {  	v6 =	vld.idx.msk [tilespmem:v7+s13+$0x0], $0xffff;
	v7 =	vadd.s32 v2, v4  }
0xb8: {  	vm15 =	vlt.s32 v7, $0x80F  }
0xb9: {  	vm1 =	vlt.u32 v5, v3;
	v5 =	vnsel vm15, $0x80F, v7;
	_ =	sdelay $0x2  }
0xba: {  	s21 =	simm.s32 $0x2F0;
	s20 =	simm.s32 $0x20;
	v6 =	vnsel vm1, $0x0, v6  }
.LBB2_4:
0xbb: {  	s22 =	sadd.s32 $0xFFFFFF90, s21;
	s20 =	sadd.s32 $0x8, s20;
	[tilespmem:s19+$0xFFFFFFF0] =	vst v6  }
0xbc: {  	v6 =	vor.u32 s22, v1;
	p1 =	slt.u32 s20, $0x38;
	v5 =	vld.idx.msk [tilespmem:v5+s13+$0x0], $0xffff  }
0xbd: {  	v7 =	vadd.s32 v2, v6  }
0xbe: {  	vm0 =	vlt.s32 v7, $0x80F  }
0xbf: {  	v7 =	vnsel vm0, $0x80F, v7;
	_ =	sdelay $0x1  }
0xc0: {  	vm0 =	vlt.u32 v4, v3  }
0xc1: {  	v4 =	vnsel vm0, $0x0, v5  }
0xc2: {  	s22 =	sadd.s32 $0xFFFFFFA0, s21;
	[tilespmem:s19+$0x0] =	vst v4  }
0xc3: {  	v5 =	vor.u32 s22, v1;
	v4 =	vld.idx.msk [tilespmem:v7+s13+$0x0], $0xffff  }
0xc4: {  	v7 =	vadd.s32 v2, v5  }
0xc5: {  	vm0 =	vlt.s32 v7, $0x80F  }
0xc6: {  	v7 =	vnsel vm0, $0x80F, v7;
	_ =	sdelay $0x1  }
0xc7: {  	vm0 =	vlt.u32 v6, v3  }
0xc8: {  	s19 =	sadd.s32 $0x80, s19;
	v4 =	vnsel vm0, $0x0, v4  }
0xc9: {  	s22 =	sadd.s32 $0xFFFFFFB0, s21;
	[tilespmem:s19+$0xFFFFFF90] =	vst v4  }
0xca: {  	v6 =	vor.u32 s22, v1;
	v4 =	vld.idx.msk [tilespmem:v7+s13+$0x0], $0xffff  }
0xcb: {  	v7 =	vadd.s32 v2, v6  }
0xcc: {  	vm0 =	vlt.s32 v7, $0x80F  }
0xcd: {  	v7 =	vnsel vm0, $0x80F, v7;
	_ =	sdelay $0x1  }
0xce: {  	vm0 =	vlt.u32 v5, v3  }
0xcf: {  	v4 =	vnsel vm0, $0x0, v4  }
0xd0: {  	s22 =	sadd.s32 $0xFFFFFFC0, s21;
	[tilespmem:s19+$0xFFFFFFA0] =	vst v4  }
0xd1: {  	v5 =	vor.u32 s22, v1;
	v4 =	vld.idx.msk [tilespmem:v7+s13+$0x0], $0xffff  }
0xd2: {  	v7 =	vadd.s32 v2, v5  }
0xd3: {  	vm0 =	vlt.s32 v7, $0x80F  }
0xd4: {  	v7 =	vnsel vm0, $0x80F, v7;
	_ =	sdelay $0x1  }
0xd5: {  	vm0 =	vlt.u32 v6, v3  }
0xd6: {  	v4 =	vnsel vm0, $0x0, v4  }
0xd7: {  	s22 =	sadd.s32 $0xFFFFFFD0, s21;
	[tilespmem:s19+$0xFFFFFFB0] =	vst v4  }
0xd8: {  	v6 =	vor.u32 s22, v1;
	v4 =	vld.idx.msk [tilespmem:v7+s13+$0x0], $0xffff  }
0xd9: {  	v7 =	vadd.s32 v2, v6  }
0xda: {  	vm0 =	vlt.s32 v7, $0x80F  }
0xdb: {  	v7 =	vnsel vm0, $0x80F, v7;
	_ =	sdelay $0x1  }
0xdc: {  	vm0 =	vlt.u32 v5, v3  }
0xdd: {  	v4 =	vnsel vm0, $0x0, v4  }
0xde: {  	s22 =	sadd.s32 $0xFFFFFFE0, s21;
	[tilespmem:s19+$0xFFFFFFC0] =	vst v4  }
0xdf: {  	v5 =	vor.u32 s22, v1;
	v4 =	vld.idx.msk [tilespmem:v7+s13+$0x0], $0xffff  }
0xe0: {  	v7 =	vadd.s32 v2, v5  }
0xe1: {  	vm0 =	vlt.s32 v7, $0x80F  }
0xe2: {  	v7 =	vnsel vm0, $0x80F, v7;
	_ =	sdelay $0x1  }
0xe3: {  	vm0 =	vlt.u32 v6, v3  }
0xe4: {  	v4 =	vnsel vm0, $0x0, v4  }
0xe5: {  	s22 =	sadd.s32 $0xFFFFFFF0, s21;
	[tilespmem:s19+$0xFFFFFFD0] =	vst v4  }
0xe6: {  	v6 =	vor.u32 s22, v1;
	v4 =	vld.idx.msk [tilespmem:v7+s13+$0x0], $0xffff  }
0xe7: {  	v7 =	vadd.s32 v2, v6  }
0xe8: {  	vm0 =	vlt.s32 v7, $0x80F  }
0xe9: {  	v7 =	vnsel vm0, $0x80F, v7;
	_ =	sdelay $0x1  }
0xea: {  	vm0 =	vlt.u32 v5, v3  }
0xeb: {  	v4 =	vnsel vm0, $0x0, v4  }
0xec: {  	[tilespmem:s19+$0xFFFFFFE0] =	vst v4  }
0xed: {  	v4 =	vor.u32 s21, v1;
	v7 =	vld.idx.msk [tilespmem:v7+s13+$0x0], $0xffff  }
0xee: {  	v5 =	vadd.s32 v2, v4  }
.Ltmp1:
0xef: {  	vm0 =	vlt.s32 v5, $0x80F;
	(pc) =	sbr.rel @p1 .LBB2_4-.Ltmp1, $3  }
0xf0: {  	v5 =	vnsel vm0, $0x80F, v5;
	_ =	sdelay $0x1  }
0xf1: {  	vm0 =	vlt.u32 v6, v3  }
0xf2: {  	s21 =	sadd.s32 $0x80, s21;
	v6 =	vnsel vm0, $0x0, v7  }
0xf3: {  	_ =	sdelay $0x2  }
0xf4: {  	[tilespmem:s19+$0xFFFFFFF0] =	vst v6;
	s20 =	simm.s32 $0x400  }
0xf5: {  	v5 =	vld.idx.msk [tilespmem:v5+s13+$0x0], $0xffff;
	v6 =	vor.u32 s20, v1  }
0xf6: {  	v7 =	vadd.s32 v2, v6  }
0xf7: {  	vm0 =	vlt.s32 v7, $0x80F  }
0xf8: {  	v7 =	vnsel vm0, $0x80F, v7  }
0xf9: {  	vm14 =	vlt.u32 v4, v3  }
0xfa: {  	v4 =	vnsel vm14, $0x0, v5  }
0xfb: {  	s24 =	simm.s32 $0x410;
	[tilespmem:s19+$0x0] =	vst v4  }
0xfc: {  	v4 =	vor.u32 s24, v1;
	[hbm4b:s7+s5] =	stream.linear.scatter [tilespmem:s15], [sflag:$0x1], $0x200, $0x38;
	[tilespmem:$0x1100] =	vst v63  }
0xfd: {  	v5 =	vld.idx.msk [tilespmem:v7+s13+$0x0], $0xffff;
	v7 =	vadd.s32 v2, v4  }
0xfe: {  	vm15 =	vlt.s32 v7, $0x80F  }
0xff: {  	v7 =	vnsel vm15, $0x80F, v7;
	_ =	sdelay $0x1  }
0x100: {  	vm4 =	vlt.u32 v6, v3  }
0x101: {  	s25 =	simm.s32 $0x420;
	s19 =	simm.s32 $0xD70;
	v5 =	vnsel vm4, $0x0, v5  }
0x102: {  	[tilespmem:s19+$0xFFFFFF90] =	vst v5;
	v5 =	vor.u32 s25, v1  }
0x103: {  	v6 =	vld.idx.msk [tilespmem:v7+s13+$0x0], $0xffff;
	v7 =	vadd.s32 v2, v5  }
0x104: {  	vm5 =	vlt.s32 v7, $0x80F  }
0x105: {  	v7 =	vnsel vm5, $0x80F, v7;
	_ =	sdelay $0x1  }
0x106: {  	vm6 =	vlt.u32 v4, v3  }
0x107: {  	s26 =	simm.s32 $0x430;
	v4 =	vnsel vm6, $0x0, v6  }
0x108: {  	[tilespmem:s19+$0xFFFFFFA0] =	vst v4;
	v4 =	vor.u32 s26, v1  }
0x109: {  	v6 =	vld.idx.msk [tilespmem:v7+s13+$0x0], $0xffff;
	v7 =	vadd.s32 v2, v4  }
0x10a: {  	vm7 =	vlt.s32 v7, $0x80F  }
0x10b: {  	v7 =	vnsel vm7, $0x80F, v7;
	_ =	sdelay $0x1  }
0x10c: {  	vm8 =	vlt.u32 v5, v3  }
0x10d: {  	s28 =	simm.s32 $0x440;
	v5 =	vnsel vm8, $0x0, v6  }
0x10e: {  	[tilespmem:s19+$0xFFFFFFB0] =	vst v5;
	v5 =	vor.u32 s28, v1  }
0x10f: {  	v6 =	vld.idx.msk [tilespmem:v7+s13+$0x0], $0xffff;
	v7 =	vadd.s32 v2, v5  }
0x110: {  	vm9 =	vlt.s32 v7, $0x80F  }
0x111: {  	v7 =	vnsel vm9, $0x80F, v7;
	_ =	sdelay $0x1  }
0x112: {  	vm10 =	vlt.u32 v4, v3  }
0x113: {  	s29 =	simm.s32 $0x450;
	v4 =	vnsel vm10, $0x0, v6  }
0x114: {  	[tilespmem:s19+$0xFFFFFFC0] =	vst v4;
	v4 =	vor.u32 s29, v1  }
0x115: {  	v6 =	vld.idx.msk [tilespmem:v7+s13+$0x0], $0xffff;
	v7 =	vadd.s32 v2, v4  }
0x116: {  	vm11 =	vlt.s32 v7, $0x80F  }
0x117: {  	v7 =	vnsel vm11, $0x80F, v7;
	_ =	sdelay $0x1  }
0x118: {  	vm12 =	vlt.u32 v5, v3  }
0x119: {  	s30 =	simm.s32 $0x460;
	v5 =	vnsel vm12, $0x0, v6  }
0x11a: {  	[tilespmem:s19+$0xFFFFFFD0] =	vst v5;
	v5 =	vor.u32 s30, v1  }
0x11b: {  	v6 =	vld.idx.msk [tilespmem:v7+s13+$0x0], $0xffff;
	v7 =	vadd.s32 v2, v5  }
0x11c: {  	vm13 =	vlt.s32 v7, $0x80F  }
0x11d: {  	v7 =	vnsel vm13, $0x80F, v7;
	_ =	sdelay $0x1  }
0x11e: {  	vm14 =	vlt.u32 v4, v3  }
0x11f: {  	s31 =	simm.s32 $0x470;
	v4 =	vnsel vm14, $0x0, v6  }
0x120: {  	[tilespmem:s19+$0xFFFFFFE0] =	vst v4;
	v4 =	vor.u32 s31, v1  }
0x121: {  	v6 =	vld.idx.msk [tilespmem:v7+s13+$0x0], $0xffff;
	v7 =	vadd.s32 v2, v4  }
0x122: {  	vm15 =	vlt.s32 v7, $0x80F  }
0x123: {  	vm1 =	vlt.u32 v5, v3;
	v5 =	vnsel vm15, $0x80F, v7;
	_ =	sdelay $0x2  }
0x124: {  	s21 =	simm.s32 $0x4F0;
	s20 =	simm.s32 $0x40;
	v6 =	vnsel vm1, $0x0, v6  }
.LBB2_6:
0x125: {  	s22 =	sadd.s32 $0xFFFFFF90, s21;
	s20 =	sadd.s32 $0x8, s20;
	[tilespmem:s19+$0xFFFFFFF0] =	vst v6  }
0x126: {  	v6 =	vor.u32 s22, v1;
	p1 =	slt.u32 s20, $0x58;
	v5 =	vld.idx.msk [tilespmem:v5+s13+$0x0], $0xffff  }
0x127: {  	v7 =	vadd.s32 v2, v6  }
0x128: {  	vm0 =	vlt.s32 v7, $0x80F  }
0x129: {  	v7 =	vnsel vm0, $0x80F, v7;
	_ =	sdelay $0x1  }
0x12a: {  	vm0 =	vlt.u32 v4, v3  }
0x12b: {  	v4 =	vnsel vm0, $0x0, v5  }
0x12c: {  	s22 =	sadd.s32 $0xFFFFFFA0, s21;
	[tilespmem:s19+$0x0] =	vst v4  }
0x12d: {  	v5 =	vor.u32 s22, v1;
	v4 =	vld.idx.msk [tilespmem:v7+s13+$0x0], $0xffff  }
0x12e: {  	v7 =	vadd.s32 v2, v5  }
0x12f: {  	vm0 =	vlt.s32 v7, $0x80F  }
0x130: {  	v7 =	vnsel vm0, $0x80F, v7;
	_ =	sdelay $0x1  }
0x131: {  	vm0 =	vlt.u32 v6, v3  }
0x132: {  	s19 =	sadd.s32 $0x80, s19;
	v4 =	vnsel vm0, $0x0, v4  }
0x133: {  	s22 =	sadd.s32 $0xFFFFFFB0, s21;
	[tilespmem:s19+$0xFFFFFF90] =	vst v4  }
0x134: {  	v6 =	vor.u32 s22, v1;
	v4 =	vld.idx.msk [tilespmem:v7+s13+$0x0], $0xffff  }
0x135: {  	v7 =	vadd.s32 v2, v6  }
0x136: {  	vm0 =	vlt.s32 v7, $0x80F  }
0x137: {  	v7 =	vnsel vm0, $0x80F, v7;
	_ =	sdelay $0x1  }
0x138: {  	vm0 =	vlt.u32 v5, v3  }
0x139: {  	v4 =	vnsel vm0, $0x0, v4  }
0x13a: {  	s22 =	sadd.s32 $0xFFFFFFC0, s21;
	[tilespmem:s19+$0xFFFFFFA0] =	vst v4  }
0x13b: {  	v5 =	vor.u32 s22, v1;
	v4 =	vld.idx.msk [tilespmem:v7+s13+$0x0], $0xffff  }
0x13c: {  	v7 =	vadd.s32 v2, v5  }
0x13d: {  	vm0 =	vlt.s32 v7, $0x80F  }
0x13e: {  	v7 =	vnsel vm0, $0x80F, v7;
	_ =	sdelay $0x1  }
0x13f: {  	vm0 =	vlt.u32 v6, v3  }
0x140: {  	v4 =	vnsel vm0, $0x0, v4  }
0x141: {  	s22 =	sadd.s32 $0xFFFFFFD0, s21;
	[tilespmem:s19+$0xFFFFFFB0] =	vst v4  }
0x142: {  	v6 =	vor.u32 s22, v1;
	v4 =	vld.idx.msk [tilespmem:v7+s13+$0x0], $0xffff  }
0x143: {  	v7 =	vadd.s32 v2, v6  }
0x144: {  	vm0 =	vlt.s32 v7, $0x80F  }
0x145: {  	v7 =	vnsel vm0, $0x80F, v7;
	_ =	sdelay $0x1  }
0x146: {  	vm0 =	vlt.u32 v5, v3  }
0x147: {  	v4 =	vnsel vm0, $0x0, v4  }
0x148: {  	s22 =	sadd.s32 $0xFFFFFFE0, s21;
	[tilespmem:s19+$0xFFFFFFC0] =	vst v4  }
0x149: {  	v5 =	vor.u32 s22, v1;
	v4 =	vld.idx.msk [tilespmem:v7+s13+$0x0], $0xffff  }
0x14a: {  	v7 =	vadd.s32 v2, v5  }
0x14b: {  	vm0 =	vlt.s32 v7, $0x80F  }
0x14c: {  	v7 =	vnsel vm0, $0x80F, v7;
	_ =	sdelay $0x1  }
0x14d: {  	vm0 =	vlt.u32 v6, v3  }
0x14e: {  	v4 =	vnsel vm0, $0x0, v4  }
0x14f: {  	s22 =	sadd.s32 $0xFFFFFFF0, s21;
	[tilespmem:s19+$0xFFFFFFD0] =	vst v4  }
0x150: {  	v6 =	vor.u32 s22, v1;
	v4 =	vld.idx.msk [tilespmem:v7+s13+$0x0], $0xffff  }
0x151: {  	v7 =	vadd.s32 v2, v6  }
0x152: {  	vm0 =	vlt.s32 v7, $0x80F  }
0x153: {  	v7 =	vnsel vm0, $0x80F, v7;
	_ =	sdelay $0x1  }
0x154: {  	vm0 =	vlt.u32 v5, v3  }
0x155: {  	v4 =	vnsel vm0, $0x0, v4  }
0x156: {  	[tilespmem:s19+$0xFFFFFFE0] =	vst v4  }
0x157: {  	v4 =	vor.u32 s21, v1;
	v7 =	vld.idx.msk [tilespmem:v7+s13+$0x0], $0xffff  }
0x158: {  	v5 =	vadd.s32 v2, v4  }
.Ltmp2:
0x159: {  	vm0 =	vlt.s32 v5, $0x80F;
	(pc) =	sbr.rel @p1 .LBB2_6-.Ltmp2, $3  }
0x15a: {  	v5 =	vnsel vm0, $0x80F, v5;
	_ =	sdelay $0x1  }
0x15b: {  	vm0 =	vlt.u32 v6, v3  }
0x15c: {  	s21 =	sadd.s32 $0x80, s21;
	v6 =	vnsel vm0, $0x0, v7  }
0x15d: {  	_ =	sdelay $0x2  }
0x15e: {  	[tilespmem:s19+$0xFFFFFFF0] =	vst v6;
	s20 =	simm.s32 $0x600  }
0x15f: {  	v5 =	vld.idx.msk [tilespmem:v5+s13+$0x0], $0xffff;
	v6 =	vor.u32 s20, v1  }
0x160: {  	v7 =	vadd.s32 v2, v6  }
0x161: {  	vm0 =	vlt.s32 v7, $0x80F  }
0x162: {  	v7 =	vnsel vm0, $0x80F, v7  }
0x163: {  	vm14 =	vlt.u32 v4, v3  }
0x164: {  	v4 =	vnsel vm14, $0x0, v5  }
0x165: {  	s24 =	simm.s32 $0x610;
	[tilespmem:s19+$0x0] =	vst v4  }
0x166: {  	v4 =	vor.u32 s24, v1;
	[hbm4b:s8+s5] =	stream.linear.scatter [tilespmem:s16], [sflag:$0x1], $0x200, $0x38;
	[tilespmem:$0x1100] =	vst v63  }
0x167: {  	v5 =	vld.idx.msk [tilespmem:v7+s13+$0x0], $0xffff;
	v7 =	vadd.s32 v2, v4  }
0x168: {  	vm15 =	vlt.s32 v7, $0x80F  }
0x169: {  	v7 =	vnsel vm15, $0x80F, v7;
	_ =	sdelay $0x1  }
0x16a: {  	vm4 =	vlt.u32 v6, v3  }
0x16b: {  	s25 =	simm.s32 $0x620;
	s19 =	simm.s32 $0xF70;
	v5 =	vnsel vm4, $0x0, v5  }
0x16c: {  	[tilespmem:s19+$0xFFFFFF90] =	vst v5;
	v5 =	vor.u32 s25, v1  }
0x16d: {  	v6 =	vld.idx.msk [tilespmem:v7+s13+$0x0], $0xffff;
	v7 =	vadd.s32 v2, v5  }
0x16e: {  	vm5 =	vlt.s32 v7, $0x80F  }
0x16f: {  	v7 =	vnsel vm5, $0x80F, v7;
	_ =	sdelay $0x1  }
0x170: {  	vm6 =	vlt.u32 v4, v3  }
0x171: {  	s26 =	simm.s32 $0x630;
	v4 =	vnsel vm6, $0x0, v6  }
0x172: {  	[tilespmem:s19+$0xFFFFFFA0] =	vst v4;
	v4 =	vor.u32 s26, v1  }
0x173: {  	v6 =	vld.idx.msk [tilespmem:v7+s13+$0x0], $0xffff;
	v7 =	vadd.s32 v2, v4  }
0x174: {  	vm7 =	vlt.s32 v7, $0x80F  }
0x175: {  	v7 =	vnsel vm7, $0x80F, v7;
	_ =	sdelay $0x1  }
0x176: {  	vm8 =	vlt.u32 v5, v3  }
0x177: {  	s28 =	simm.s32 $0x640;
	v5 =	vnsel vm8, $0x0, v6  }
0x178: {  	[tilespmem:s19+$0xFFFFFFB0] =	vst v5;
	v5 =	vor.u32 s28, v1  }
0x179: {  	v6 =	vld.idx.msk [tilespmem:v7+s13+$0x0], $0xffff;
	v7 =	vadd.s32 v2, v5  }
0x17a: {  	vm9 =	vlt.s32 v7, $0x80F  }
0x17b: {  	v7 =	vnsel vm9, $0x80F, v7;
	_ =	sdelay $0x1  }
0x17c: {  	vm10 =	vlt.u32 v4, v3  }
0x17d: {  	s29 =	simm.s32 $0x650;
	v4 =	vnsel vm10, $0x0, v6  }
0x17e: {  	[tilespmem:s19+$0xFFFFFFC0] =	vst v4;
	v4 =	vor.u32 s29, v1  }
0x17f: {  	v6 =	vld.idx.msk [tilespmem:v7+s13+$0x0], $0xffff;
	v7 =	vadd.s32 v2, v4  }
0x180: {  	vm11 =	vlt.s32 v7, $0x80F  }
0x181: {  	v7 =	vnsel vm11, $0x80F, v7;
	_ =	sdelay $0x1  }
0x182: {  	vm12 =	vlt.u32 v5, v3  }
0x183: {  	s30 =	simm.s32 $0x660;
	v5 =	vnsel vm12, $0x0, v6  }
0x184: {  	[tilespmem:s19+$0xFFFFFFD0] =	vst v5;
	v5 =	vor.u32 s30, v1  }
0x185: {  	v6 =	vld.idx.msk [tilespmem:v7+s13+$0x0], $0xffff;
	v7 =	vadd.s32 v2, v5  }
0x186: {  	vm13 =	vlt.s32 v7, $0x80F  }
0x187: {  	v7 =	vnsel vm13, $0x80F, v7;
	_ =	sdelay $0x1  }
0x188: {  	vm14 =	vlt.u32 v4, v3  }
0x189: {  	s31 =	simm.s32 $0x670;
	v4 =	vnsel vm14, $0x0, v6  }
0x18a: {  	[tilespmem:s19+$0xFFFFFFE0] =	vst v4;
	v4 =	vor.u32 s31, v1  }
0x18b: {  	v6 =	vld.idx.msk [tilespmem:v7+s13+$0x0], $0xffff;
	v7 =	vadd.s32 v2, v4  }
0x18c: {  	vm15 =	vlt.s32 v7, $0x80F  }
0x18d: {  	vm1 =	vlt.u32 v5, v3;
	v5 =	vnsel vm15, $0x80F, v7;
	_ =	sdelay $0x2  }
0x18e: {  	s21 =	simm.s32 $0x6F0;
	s20 =	simm.s32 $0x60;
	v6 =	vnsel vm1, $0x0, v6  }
.LBB2_8:
0x18f: {  	s22 =	sadd.s32 $0xFFFFFF90, s21;
	s20 =	sadd.s32 $0x8, s20;
	[tilespmem:s19+$0xFFFFFFF0] =	vst v6  }
0x190: {  	v6 =	vor.u32 s22, v1;
	p1 =	slt.u32 s20, $0x78;
	v5 =	vld.idx.msk [tilespmem:v5+s13+$0x0], $0xffff  }
0x191: {  	v7 =	vadd.s32 v2, v6  }
0x192: {  	vm0 =	vlt.s32 v7, $0x80F  }
0x193: {  	v7 =	vnsel vm0, $0x80F, v7;
	_ =	sdelay $0x1  }
0x194: {  	vm0 =	vlt.u32 v4, v3  }
0x195: {  	v4 =	vnsel vm0, $0x0, v5  }
0x196: {  	s22 =	sadd.s32 $0xFFFFFFA0, s21;
	[tilespmem:s19+$0x0] =	vst v4  }
0x197: {  	v5 =	vor.u32 s22, v1;
	v4 =	vld.idx.msk [tilespmem:v7+s13+$0x0], $0xffff  }
0x198: {  	v7 =	vadd.s32 v2, v5  }
0x199: {  	vm0 =	vlt.s32 v7, $0x80F  }
0x19a: {  	v7 =	vnsel vm0, $0x80F, v7;
	_ =	sdelay $0x1  }
0x19b: {  	vm0 =	vlt.u32 v6, v3  }
0x19c: {  	s19 =	sadd.s32 $0x80, s19;
	v4 =	vnsel vm0, $0x0, v4  }
0x19d: {  	s22 =	sadd.s32 $0xFFFFFFB0, s21;
	[tilespmem:s19+$0xFFFFFF90] =	vst v4  }
0x19e: {  	v6 =	vor.u32 s22, v1;
	v4 =	vld.idx.msk [tilespmem:v7+s13+$0x0], $0xffff  }
0x19f: {  	v7 =	vadd.s32 v2, v6  }
0x1a0: {  	vm0 =	vlt.s32 v7, $0x80F  }
0x1a1: {  	v7 =	vnsel vm0, $0x80F, v7;
	_ =	sdelay $0x1  }
0x1a2: {  	vm0 =	vlt.u32 v5, v3  }
0x1a3: {  	v4 =	vnsel vm0, $0x0, v4  }
0x1a4: {  	s22 =	sadd.s32 $0xFFFFFFC0, s21;
	[tilespmem:s19+$0xFFFFFFA0] =	vst v4  }
0x1a5: {  	v5 =	vor.u32 s22, v1;
	v4 =	vld.idx.msk [tilespmem:v7+s13+$0x0], $0xffff  }
0x1a6: {  	v7 =	vadd.s32 v2, v5  }
0x1a7: {  	vm0 =	vlt.s32 v7, $0x80F  }
0x1a8: {  	v7 =	vnsel vm0, $0x80F, v7;
	_ =	sdelay $0x1  }
0x1a9: {  	vm0 =	vlt.u32 v6, v3  }
0x1aa: {  	v4 =	vnsel vm0, $0x0, v4  }
0x1ab: {  	s22 =	sadd.s32 $0xFFFFFFD0, s21;
	[tilespmem:s19+$0xFFFFFFB0] =	vst v4  }
0x1ac: {  	v6 =	vor.u32 s22, v1;
	v4 =	vld.idx.msk [tilespmem:v7+s13+$0x0], $0xffff  }
0x1ad: {  	v7 =	vadd.s32 v2, v6  }
0x1ae: {  	vm0 =	vlt.s32 v7, $0x80F  }
0x1af: {  	v7 =	vnsel vm0, $0x80F, v7;
	_ =	sdelay $0x1  }
0x1b0: {  	vm0 =	vlt.u32 v5, v3  }
0x1b1: {  	v4 =	vnsel vm0, $0x0, v4  }
0x1b2: {  	s22 =	sadd.s32 $0xFFFFFFE0, s21;
	[tilespmem:s19+$0xFFFFFFC0] =	vst v4  }
0x1b3: {  	v5 =	vor.u32 s22, v1;
	v4 =	vld.idx.msk [tilespmem:v7+s13+$0x0], $0xffff  }
0x1b4: {  	v7 =	vadd.s32 v2, v5  }
0x1b5: {  	vm0 =	vlt.s32 v7, $0x80F  }
0x1b6: {  	v7 =	vnsel vm0, $0x80F, v7;
	_ =	sdelay $0x1  }
0x1b7: {  	vm0 =	vlt.u32 v6, v3  }
0x1b8: {  	v4 =	vnsel vm0, $0x0, v4  }
0x1b9: {  	s22 =	sadd.s32 $0xFFFFFFF0, s21;
	[tilespmem:s19+$0xFFFFFFD0] =	vst v4  }
0x1ba: {  	v6 =	vor.u32 s22, v1;
	v4 =	vld.idx.msk [tilespmem:v7+s13+$0x0], $0xffff  }
0x1bb: {  	v7 =	vadd.s32 v2, v6  }
0x1bc: {  	vm0 =	vlt.s32 v7, $0x80F  }
0x1bd: {  	v7 =	vnsel vm0, $0x80F, v7;
	_ =	sdelay $0x1  }
0x1be: {  	vm0 =	vlt.u32 v5, v3  }
0x1bf: {  	v4 =	vnsel vm0, $0x0, v4  }
0x1c0: {  	[tilespmem:s19+$0xFFFFFFE0] =	vst v4  }
0x1c1: {  	v4 =	vor.u32 s21, v1;
	v7 =	vld.idx.msk [tilespmem:v7+s13+$0x0], $0xffff  }
0x1c2: {  	v5 =	vadd.s32 v2, v4  }
.Ltmp3:
0x1c3: {  	vm0 =	vlt.s32 v5, $0x80F;
	(pc) =	sbr.rel @p1 .LBB2_8-.Ltmp3, $3  }
0x1c4: {  	v5 =	vnsel vm0, $0x80F, v5;
	_ =	sdelay $0x1  }
0x1c5: {  	vm0 =	vlt.u32 v6, v3  }
0x1c6: {  	s21 =	sadd.s32 $0x80, s21;
	v6 =	vnsel vm0, $0x0, v7  }
0x1c7: {  	_ =	sdelay $0x2  }
0x1c8: {  	[tilespmem:s19+$0xFFFFFFF0] =	vst v6  }
0x1c9: {  	v2 =	vld.idx.msk [tilespmem:v5+s13+$0x0], $0xffff;
	_ =	sdelay $0x3  }
0x1ca: {  	vm0 =	vlt.u32 v4, v3  }
0x1cb: {  	v2 =	vnsel vm0, $0x0, v2  }
0x1cc: {  	[tilespmem:s19+$0x0] =	vst v2  }
0x1cd: {  	[hbm4b:s9+s5] =	stream.linear.scatter [tilespmem:s17], [sflag:$0x1], $0x200, $0x38;
	[tilespmem:$0x1100] =	vst v63  }
0x1ce: {  	_ =	swait.ge [sflag:s12], $0x200  }
0x1cf: {  	[sflag:s12] =	ssyncset.done $0x0  }
0x1d0: {  	[sflag:s12] =	ssyncadd.s32 $0xFFFFFE00  }
0x1d1: {  	_ =	swait.ge [sflag:s12], $0x200  }
0x1d2: {  	[sflag:s12] =	ssyncset.done $0x0  }
0x1d3: {  	s18 =	sadd.s32 $0x1, s18;
	[sflag:s12] =	ssyncadd.s32 $0xFFFFFE00  }
0x1d4: {  	p1 =	sne.s32 s18, s10;
	_ =	swait.ge [sflag:s12], $0x200  }
.Ltmp4:
0x1d5: {  	[sflag:s12] =	ssyncset.done $0x0;
	(pc) =	sbr.rel @p1 .LBB2_1-.Ltmp4, $4  }
0x1d6: {  	[sflag:s12] =	ssyncadd.s32 $0xFFFFFE00  }
0x1d7: {  	_ =	swait.ge [sflag:s12], $0x200  }
0x1d8: {  	[sflag:s12] =	ssyncset.done $0x0  }
0x1d9: {  	[sflag:s12] =	ssyncadd.s32 $0xFFFFFE00  }
0x1da: {  	_ =	sfence.sel $0x180000  }
0x1db: {  	[bflag:$0x0] =	sbarrier.arrive $0xFFFF  }
0x1dc: {  	p0 =	sne.s32 s0, $0x0;
	_ =	strace $0x90000047  }
0x1dd: {  	s0 =	sadd.s32 @!p0 $0x100000, s2;
	[bflag:$0x2] =	sbarrier.arrive $0xFFFF  }
0x1de: {  	[sflag:s0] =	ssyncadd.tile.s32 @!p0 $0x1;
	_ =	shalt  }
.Lfunc_end2:
_tile_overlayer_lowered:
.L_overlay_start_2:
0x1df: {  	(tag) =	ssettag $0x2  }
0x1e0: {  	s0 =	rddreg [dreg:$0x0];
	s2 =	stileid.u32  }
0x1e1: {  	s1 =	rddreg [dreg:$0x1];
	p0 =	sne.s32 s2, $0x0  }
0x1e2: {  	s3 =	rddreg [dreg:$0x2];
	[bflag:$0x3] =	sbarrier.arrive $0xFFFF;
	s2 =	simm.s32 @!p0 $0x1C02  }
0x1e3: {  	[timem:s3], [sflag:s2] =	dma.local @!p0 [hbm:s0], s1  }
0x1e4: {  	s0 =	simm.s32 @!p0 $0x2  }
0x1e5: {  	_ =	swait.ge @!p0 [sflag:s0], s1  }
0x1e6: {  	s1 =	ssub.s32 @!p0 $0x0, s1;
	[sflag:s0] =	ssyncset.done @!p0 $0x0  }
0x1e7: {  	[sflag:s0] =	ssyncadd.s32 @!p0 s1  }
0x1e8: {  	[bflag:$0x3] =	sbarrier.arrive $0xFFFF  }
0x1e9: {  	_ =	shalt  }

</sc_bundles>
